<compile_context>
chip_gen: v7x
topology: tpu7x:2x2x1
jax: 0.10.2.dev20260603
libtpu: 0.0.44.dev20260713+nightly
codegen_flags: <defaults>
</compile_context>

<pallas_src>
import functools

import jax
import jax.numpy as jnp
from jax import lax
from jax.experimental import pallas as pl
from jax.experimental.pallas import tpu as pltpu
from jax.experimental.pallas import tpu_sc as plsc

N = 16 * 1024 * 1024
NC, NS, L = 2, 16, 16
NW = NC * NS
W = 1024
ROWS = N // W
SC_ROWS = 6656
RPW = SC_ROWS // NW
RB = 16
C = RB * W
NCHUNK = RPW // RB
G = 4
TC_BR = 512


def _accum(pb, tb, accs):

  def body(j, accs):
    r = jax.lax.shift_right_logical(j, 10)
    c = pl.multiple_of(jax.lax.bitwise_and(j, W - 1), G * L)
    it, ii, tt = [list(a) for a in accs]
    for k in range(G):
      p = pb[r, pl.ds(c + k * L, L)]
      t = tb[r, pl.ds(c + k * L, L)]
      it[k] = it[k] + p * t
      ii[k] = ii[k] + p * p
      tt[k] = tt[k] + t * t
    return (tuple(it), tuple(ii), tuple(tt))

  return plsc.parallel_loop(0, C, step=G * L, unroll=2, carry=accs)(body)


def _dice_partial_sums(pred_flat, tgt_flat):
  mesh = plsc.VectorSubcoreMesh(core_axis_name="c", subcore_axis_name="s")

  @functools.partial(
      pl.kernel,
      out_type=jax.ShapeDtypeStruct((NW, 3 * L), jnp.float32),
      mesh=mesh,
      scratch_types=[
          pltpu.VMEM((2, RB, W), jnp.float32),
          pltpu.VMEM((2, RB, W), jnp.float32),
          pltpu.VMEM((3 * L,), jnp.float32),
          pltpu.SemaphoreType.DMA,
          pltpu.SemaphoreType.DMA,
      ],
  )
  def kern(pred_hbm, tgt_hbm, out_hbm, pbuf, tbuf, obuf, sem0, sem1):
    wid = lax.axis_index("s") * NC + lax.axis_index("c")
    base = wid * RPW
    sems = (sem0, sem1)

    def start(chunk, b):
      row = base + chunk * RB
      pltpu.async_copy(pred_hbm.at[pl.ds(row, RB), :], pbuf.at[b], sems[b])
      pltpu.async_copy(tgt_hbm.at[pl.ds(row, RB), :], tbuf.at[b], sems[b])

    def wait(b):
      pltpu.make_async_copy(pred_hbm.at[pl.ds(base, RB), :], pbuf.at[b],
                            sems[b]).wait()
      pltpu.make_async_copy(tgt_hbm.at[pl.ds(base, RB), :], tbuf.at[b],
                            sems[b]).wait()

    start(0, 0)
    zeros = tuple(jnp.zeros((L,), jnp.float32) for _ in range(G))
    accs = (zeros, zeros, zeros)

    def outer(i, accs):
      start(2 * i + 1, 1)
      wait(0)
      accs = _accum(pbuf.at[0], tbuf.at[0], accs)

      @pl.when(2 * i + 2 < NCHUNK)
      def _():
        start(2 * i + 2, 0)

      wait(1)
      return _accum(pbuf.at[1], tbuf.at[1], accs)

    accs = lax.fori_loop(0, NCHUNK // 2, outer, accs)
    if NCHUNK % 2:
      wait(0)
      accs = _accum(pbuf.at[0], tbuf.at[0], accs)
    it, ii, tt = accs
    obuf[pl.ds(0, L)] = functools.reduce(lambda a, b: a + b, it)
    obuf[pl.ds(L, L)] = functools.reduce(lambda a, b: a + b, ii)
    obuf[pl.ds(2 * L, L)] = functools.reduce(lambda a, b: a + b, tt)
    pltpu.sync_copy(obuf, out_hbm.at[wid])

  return kern(pred_flat, tgt_flat)


def _tc_partial_sums(pred2d, tgt2d):
  grid = (ROWS - SC_ROWS) // TC_BR

  def body(p_ref, t_ref, o_ref, acc_ref):
    i = pl.program_id(0)
    s_it = jnp.zeros((8, W), jnp.float32)
    s_ii = jnp.zeros((8, W), jnp.float32)
    s_tt = jnp.zeros((8, W), jnp.float32)
    for r in range(TC_BR // 8):
      p = p_ref[pl.ds(8 * r, 8), :]
      t = t_ref[pl.ds(8 * r, 8), :]
      s_it = s_it + p * t
      s_ii = s_ii + p * p
      s_tt = s_tt + t * t

    @pl.when(i == 0)
    def _():
      acc_ref[0] = s_it
      acc_ref[1] = s_ii
      acc_ref[2] = s_tt

    @pl.when(i > 0)
    def _():
      acc_ref[0] += s_it
      acc_ref[1] += s_ii
      acc_ref[2] += s_tt

    @pl.when(i == grid - 1)
    def _():
      o_ref[0] = jnp.sum(acc_ref[0])
      o_ref[1] = jnp.sum(acc_ref[1])
      o_ref[2] = jnp.sum(acc_ref[2])

  off = SC_ROWS // TC_BR
  in_spec = pl.BlockSpec((TC_BR, W), lambda i: (off + i, 0))
  return pl.pallas_call(
      body,
      grid=(grid,),
      in_specs=[in_spec, in_spec],
      out_specs=pl.BlockSpec(memory_space=pltpu.SMEM),
      out_shape=jax.ShapeDtypeStruct((3,), jnp.float32),
      scratch_shapes=[pltpu.VMEM((3, 8, W), jnp.float32)],
  )(pred2d, tgt2d)


def _finish(sc_part, tc_part):

  def body(s_ref, t_ref, o_ref):
    smooth = 1.0
    s = s_ref[...]
    inter = jnp.sum(s[:, 0:L]) + t_ref[0]
    a_sum = jnp.sum(s[:, L:2 * L]) + t_ref[1]
    b_sum = jnp.sum(s[:, 2 * L:3 * L]) + t_ref[2]
    o_ref[0] = 1.0 - (2.0 * inter + smooth) / (a_sum + b_sum + smooth)

  return pl.pallas_call(
      body,
      in_specs=[pl.BlockSpec((NW, 3 * L), lambda: (0, 0)),
                pl.BlockSpec(memory_space=pltpu.SMEM)],
      out_specs=pl.BlockSpec(memory_space=pltpu.SMEM),
      out_shape=jax.ShapeDtypeStruct((1,), jnp.float32),
  )(sc_part, tc_part)


def kernel(pred, target):
  p2, t2 = pred.reshape(ROWS, W), target.reshape(ROWS, W)
  sc_part = _dice_partial_sums(p2, t2)
  tc_part = _tc_partial_sums(p2, t2)
  return _finish(sc_part, tc_part)[0]

# --- scband reference (transcript-rebuilt; emitter-appended) ---
"""Pipeline reference for scband-diceloss-81956565942483 (READ-ONLY COPY).

The authoritative reference and input builder live on the scoring server;
editing this copy changes nothing except your own understanding.
"""

import jax, jax.numpy as jnp
import numpy as np

def setup_inputs(seed: int = 0) -> dict:
    key = jax.random.key(seed)
    k1, k2 = jax.random.split(key)
    pred = jax.random.uniform(k1, (16, 1, 1024, 1024), dtype=jnp.float32)
    # target: binary segmentation mask in {0,1}; all values > -1 so all are valid
    target = (jax.random.uniform(k2, (16, 1, 1024, 1024), dtype=jnp.float32) > 0.5).astype(jnp.float32)
    return {"pred": pred, "target": target}

def reference(pred, target):
    smooth = 1.0
    iflat = pred.reshape(-1)
    tflat = target.reshape(-1)
    # torch code gathers elements where tflat > -1 into v_iflat / v_tflat and then
    # computes sums over only those elements. Summing a masked (zeroed) array is
    # mathematically identical and jit-compatible (dynamic nonzero not allowed in jit).
    valid = tflat > -1.0
    v_iflat = jnp.where(valid, iflat, 0.0)
    v_tflat = jnp.where(valid, tflat, 0.0)
    intersection = jnp.sum(v_iflat * v_tflat)
    A_sum = jnp.sum(v_iflat * v_iflat)
    B_sum = jnp.sum(v_tflat * v_tflat)
    return 1.0 - (2.0 * intersection + smooth) / (A_sum + B_sum + smooth)

if __name__ == "__main__":
    import jax
    _d = setup_inputs()
    print(jax.jit(kernel)(*tuple(_d.values())))

</pallas_src>

<mosaic_0001>
#map = affine_map<(d0, d1) -> (0, 0)>
module attributes {stable_mosaic.version = 14 : i64} {
  func.func @kern(%arg0: i32, %arg1: i32, %arg2: memref<16384x1024xf32, #tpu.memory_space<hbm>>, %arg3: memref<16384x1024xf32, #tpu.memory_space<hbm>>, %arg4: memref<32x48xf32, #tpu.memory_space<hbm>>, %arg5: memref<2x16x1024xf32, #tpu.memory_space<vmem>>, %arg6: memref<2x16x1024xf32, #tpu.memory_space<vmem>>, %arg7: memref<48xf32, #tpu.memory_space<vmem>>, %arg8: memref<!tpu.dma_semaphore, #tpu.memory_space<semaphore_mem>>, %arg9: memref<!tpu.dma_semaphore, #tpu.memory_space<semaphore_mem>>) attributes {dimension_semantics = [#tpu.dimension_semantics<core_parallel>, #tpu.dimension_semantics<subcore_parallel>], iteration_bounds = array<i64: 2, 16>, scalar_prefetch = 0 : i64, scratch_operands = 5 : i64, tpu.core_type = #tpu.core_type<sc_vector_subcore>, window_params = [{transform_indices = #map}, {transform_indices = #map}, {transform_indices = #map}]} {
    %mul3A = arith.constant 2 : i32
    %mul3A_0 = arith.muli %arg1, %mul3A : i32
    %add3A = arith.addi %mul3A_0, %arg0 : i32
    %mul3A_1 = arith.constant 208 : i32
    %mul3A_2 = arith.muli %add3A, %mul3A_1 : i32
    %add3A_3 = arith.constant 0 : i32
    %add3A_4 = arith.addi %mul3A_2, %add3A_3 : i32
    %dma_start3A = arith.constant 0 : i32
    %dma_start3A_5 = arith.constant 0 : i32
    %dma_start3A_6 = arith.constant 0 : i32
    %dma_start3A_7 = tpu.memref_slice %arg5[%dma_start3A, %dma_start3A_5, %dma_start3A_6] : memref<2x16x1024xf32, #tpu.memory_space<vmem>> -> memref<1x16x1024xf32, #tpu.memory_space<vmem>>
    %dma_start3A_8 = tpu.memref_squeeze %dma_start3A_7 : memref<1x16x1024xf32, #tpu.memory_space<vmem>> -> memref<16x1024xf32, #tpu.memory_space<vmem>>
    %dma_start3A_9 = arith.constant 0 : i32
    %dma_start3A_10 = tpu.memref_slice %arg2[%add3A_4, %dma_start3A_9] : memref<16384x1024xf32, #tpu.memory_space<hbm>> -> memref<16x1024xf32, #tpu.memory_space<hbm>>
    %dma_start3A_11 = arith.constant 0 : i32
    %dma_start3A_12 = arith.constant 0 : i32
    %dma_start3A_13 = tpu.memref_slice %arg5[%dma_start3A, %dma_start3A_11, %dma_start3A_12] : memref<2x16x1024xf32, #tpu.memory_space<vmem>> -> memref<1x16x1024xf32, #tpu.memory_space<vmem>>
    %dma_start3A_14 = tpu.memref_squeeze %dma_start3A_13 : memref<1x16x1024xf32, #tpu.memory_space<vmem>> -> memref<16x1024xf32, #tpu.memory_space<vmem>>
    %dma_start3A_15 = arith.constant 0 : i32
    %dma_start3A_16 = tpu.memref_slice %arg2[%add3A_4, %dma_start3A_15] : memref<16384x1024xf32, #tpu.memory_space<hbm>> -> memref<16x1024xf32, #tpu.memory_space<hbm>>
    tpu.enqueue_dma source(%dma_start3A_16 : memref<16x1024xf32, #tpu.memory_space<hbm>>) target(%dma_start3A_14 : memref<16x1024xf32, #tpu.memory_space<vmem>>) target_semaphore(%arg8 : memref<!tpu.dma_semaphore, #tpu.memory_space<semaphore_mem>>)
    %dma_start3A_17 = arith.constant 0 : i32
    %dma_start3A_18 = arith.constant 0 : i32
    %dma_start3A_19 = arith.constant 0 : i32
    %dma_start3A_20 = tpu.memref_slice %arg6[%dma_start3A_17, %dma_start3A_18, %dma_start3A_19] : memref<2x16x1024xf32, #tpu.memory_space<vmem>> -> memref<1x16x1024xf32, #tpu.memory_space<vmem>>
    %dma_start3A_21 = tpu.memref_squeeze %dma_start3A_20 : memref<1x16x1024xf32, #tpu.memory_space<vmem>> -> memref<16x1024xf32, #tpu.memory_space<vmem>>
    %dma_start3A_22 = arith.constant 0 : i32
    %dma_start3A_23 = tpu.memref_slice %arg3[%add3A_4, %dma_start3A_22] : memref<16384x1024xf32, #tpu.memory_space<hbm>> -> memref<16x1024xf32, #tpu.memory_space<hbm>>
    %dma_start3A_24 = arith.constant 0 : i32
    %dma_start3A_25 = arith.constant 0 : i32
    %dma_start3A_26 = tpu.memref_slice %arg6[%dma_start3A_17, %dma_start3A_24, %dma_start3A_25] : memref<2x16x1024xf32, #tpu.memory_space<vmem>> -> memref<1x16x1024xf32, #tpu.memory_space<vmem>>
    %dma_start3A_27 = tpu.memref_squeeze %dma_start3A_26 : memref<1x16x1024xf32, #tpu.memory_space<vmem>> -> memref<16x1024xf32, #tpu.memory_space<vmem>>
    %dma_start3A_28 = arith.constant 0 : i32
    %dma_start3A_29 = tpu.memref_slice %arg3[%add3A_4, %dma_start3A_28] : memref<16384x1024xf32, #tpu.memory_space<hbm>> -> memref<16x1024xf32, #tpu.memory_space<hbm>>
    tpu.enqueue_dma source(%dma_start3A_29 : memref<16x1024xf32, #tpu.memory_space<hbm>>) target(%dma_start3A_27 : memref<16x1024xf32, #tpu.memory_space<vmem>>) target_semaphore(%arg8 : memref<!tpu.dma_semaphore, #tpu.memory_space<semaphore_mem>>)
    %broadcast_in_dim3A = arith.constant 0.000000e+00 : f32
    %broadcast_in_dim3A_30 = vector.broadcast %broadcast_in_dim3A : f32 to vector<16xf32>
    %broadcast_in_dim3A_31 = arith.constant 0.000000e+00 : f32
    %broadcast_in_dim3A_32 = vector.broadcast %broadcast_in_dim3A_31 : f32 to vector<16xf32>
    %broadcast_in_dim3A_33 = arith.constant 0.000000e+00 : f32
    %broadcast_in_dim3A_34 = vector.broadcast %broadcast_in_dim3A_33 : f32 to vector<16xf32>
    %broadcast_in_dim3A_35 = arith.constant 0.000000e+00 : f32
    %broadcast_in_dim3A_36 = vector.broadcast %broadcast_in_dim3A_35 : f32 to vector<16xf32>
    %scan3A = arith.constant 0 : i32
    %scan3A_37 = arith.constant 6 : i32
    %scan3A_38 = arith.addi %scan3A, %scan3A_37 : i32
    %scan3A_39 = arith.constant 1 : i32
    %scan3A_40:12 = scf.for %scan3A_92 = %scan3A to %scan3A_38 step %scan3A_39 iter_args(%scan3A_93 = %broadcast_in_dim3A_30, %scan3A_94 = %broadcast_in_dim3A_32, %scan3A_95 = %broadcast_in_dim3A_34, %scan3A_96 = %broadcast_in_dim3A_36, %scan3A_97 = %broadcast_in_dim3A_30, %scan3A_98 = %broadcast_in_dim3A_32, %scan3A_99 = %broadcast_in_dim3A_34, %scan3A_100 = %broadcast_in_dim3A_36, %scan3A_101 = %broadcast_in_dim3A_30, %scan3A_102 = %broadcast_in_dim3A_32, %scan3A_103 = %broadcast_in_dim3A_34, %scan3A_104 = %broadcast_in_dim3A_36) -> (vector<16xf32>, vector<16xf32>, vector<16xf32>, vector<16xf32>, vector<16xf32>, vector<16xf32>, vector<16xf32>, vector<16xf32>, vector<16xf32>, vector<16xf32>, vector<16xf32>, vector<16xf32>)  : i32 {
      %mul3A_105 = arith.constant 2 : i32
      %mul3A_106 = arith.muli %mul3A_105, %scan3A_92 : i32
      %add3A_107 = arith.constant 1 : i32
      %add3A_108 = arith.addi %mul3A_106, %add3A_107 : i32
      %mul3A_109 = arith.constant 16 : i32
      %mul3A_110 = arith.muli %add3A_108, %mul3A_109 : i32
      %add3A_111 = arith.addi %mul3A_2, %mul3A_110 : i32
      %dma_start3A_112 = arith.constant 1 : i32
      %dma_start3A_113 = arith.constant 0 : i32
      %dma_start3A_114 = arith.constant 0 : i32
      %dma_start3A_115 = tpu.memref_slice %arg5[%dma_start3A_112, %dma_start3A_113, %dma_start3A_114] : memref<2x16x1024xf32, #tpu.memory_space<vmem>> -> memref<1x16x1024xf32, #tpu.memory_space<vmem>>
      %dma_start3A_116 = tpu.memref_squeeze %dma_start3A_115 : memref<1x16x1024xf32, #tpu.memory_space<vmem>> -> memref<16x1024xf32, #tpu.memory_space<vmem>>
      %dma_start3A_117 = arith.constant 0 : i32
      %dma_start3A_118 = tpu.memref_slice %arg2[%add3A_111, %dma_start3A_117] : memref<16384x1024xf32, #tpu.memory_space<hbm>> -> memref<16x1024xf32, #tpu.memory_space<hbm>>
      %dma_start3A_119 = arith.constant 0 : i32
      %dma_start3A_120 = arith.constant 0 : i32
      %dma_start3A_121 = tpu.memref_slice %arg5[%dma_start3A_112, %dma_start3A_119, %dma_start3A_120] : memref<2x16x1024xf32, #tpu.memory_space<vmem>> -> memref<1x16x1024xf32, #tpu.memory_space<vmem>>
      %dma_start3A_122 = tpu.memref_squeeze %dma_start3A_121 : memref<1x16x1024xf32, #tpu.memory_space<vmem>> -> memref<16x1024xf32, #tpu.memory_space<vmem>>
      %dma_start3A_123 = arith.constant 0 : i32
      %dma_start3A_124 = tpu.memref_slice %arg2[%add3A_111, %dma_start3A_123] : memref<16384x1024xf32, #tpu.memory_space<hbm>> -> memref<16x1024xf32, #tpu.memory_space<hbm>>
      tpu.enqueue_dma source(%dma_start3A_124 : memref<16x1024xf32, #tpu.memory_space<hbm>>) target(%dma_start3A_122 : memref<16x1024xf32, #tpu.memory_space<vmem>>) target_semaphore(%arg9 : memref<!tpu.dma_semaphore, #tpu.memory_space<semaphore_mem>>)
      %dma_start3A_125 = arith.constant 1 : i32
      %dma_start3A_126 = arith.constant 0 : i32
      %dma_start3A_127 = arith.constant 0 : i32
      %dma_start3A_128 = tpu.memref_slice %arg6[%dma_start3A_125, %dma_start3A_126, %dma_start3A_127] : memref<2x16x1024xf32, #tpu.memory_space<vmem>> -> memref<1x16x1024xf32, #tpu.memory_space<vmem>>
      %dma_start3A_129 = tpu.memref_squeeze %dma_start3A_128 : memref<1x16x1024xf32, #tpu.memory_space<vmem>> -> memref<16x1024xf32, #tpu.memory_space<vmem>>
      %dma_start3A_130 = arith.constant 0 : i32
      %dma_start3A_131 = tpu.memref_slice %arg3[%add3A_111, %dma_start3A_130] : memref<16384x1024xf32, #tpu.memory_space<hbm>> -> memref<16x1024xf32, #tpu.memory_space<hbm>>
      %dma_start3A_132 = arith.constant 0 : i32
      %dma_start3A_133 = arith.constant 0 : i32
      %dma_start3A_134 = tpu.memref_slice %arg6[%dma_start3A_125, %dma_start3A_132, %dma_start3A_133] : memref<2x16x1024xf32, #tpu.memory_space<vmem>> -> memref<1x16x1024xf32, #tpu.memory_space<vmem>>
      %dma_start3A_135 = tpu.memref_squeeze %dma_start3A_134 : memref<1x16x1024xf32, #tpu.memory_space<vmem>> -> memref<16x1024xf32, #tpu.memory_space<vmem>>
      %dma_start3A_136 = arith.constant 0 : i32
      %dma_start3A_137 = tpu.memref_slice %arg3[%add3A_111, %dma_start3A_136] : memref<16384x1024xf32, #tpu.memory_space<hbm>> -> memref<16x1024xf32, #tpu.memory_space<hbm>>
      tpu.enqueue_dma source(%dma_start3A_137 : memref<16x1024xf32, #tpu.memory_space<hbm>>) target(%dma_start3A_135 : memref<16x1024xf32, #tpu.memory_space<vmem>>) target_semaphore(%arg9 : memref<!tpu.dma_semaphore, #tpu.memory_space<semaphore_mem>>)
      %dma_wait3A_138 = arith.constant 0 : i32
      %dma_wait3A_139 = arith.constant 0 : i32
      %dma_wait3A_140 = arith.constant 0 : i32
      %dma_wait3A_141 = tpu.memref_slice %arg5[%dma_wait3A_138, %dma_wait3A_139, %dma_wait3A_140] : memref<2x16x1024xf32, #tpu.memory_space<vmem>> -> memref<1x16x1024xf32, #tpu.memory_space<vmem>>
      %dma_wait3A_142 = tpu.memref_squeeze %dma_wait3A_141 : memref<1x16x1024xf32, #tpu.memory_space<vmem>> -> memref<16x1024xf32, #tpu.memory_space<vmem>>
      %dma_wait3A_143 = arith.constant 0 : i32
      %dma_wait3A_144 = tpu.memref_slice %arg2[%mul3A_2, %dma_wait3A_143] : memref<16384x1024xf32, #tpu.memory_space<hbm>> -> memref<16x1024xf32, #tpu.memory_space<hbm>>
      %dma_wait3A_145 = arith.constant 0 : i32
      %dma_wait3A_146 = arith.constant 0 : i32
      %dma_wait3A_147 = tpu.memref_slice %arg5[%dma_wait3A_138, %dma_wait3A_145, %dma_wait3A_146] : memref<2x16x1024xf32, #tpu.memory_space<vmem>> -> memref<1x16x1024xf32, #tpu.memory_space<vmem>>
      %dma_wait3A_148 = tpu.memref_squeeze %dma_wait3A_147 : memref<1x16x1024xf32, #tpu.memory_space<vmem>> -> memref<16x1024xf32, #tpu.memory_space<vmem>>
      %dma_wait3A_149 = arith.constant 0 : i32
      %dma_wait3A_150 = tpu.memref_slice %arg2[%mul3A_2, %dma_wait3A_149] : memref<16384x1024xf32, #tpu.memory_space<hbm>> -> memref<16x1024xf32, #tpu.memory_space<hbm>>
      tpu.wait_dma2 semaphore(%arg8 : memref<!tpu.dma_semaphore, #tpu.memory_space<semaphore_mem>>) src(%dma_wait3A_150 : memref<16x1024xf32, #tpu.memory_space<hbm>>) dst(%dma_wait3A_148 : memref<16x1024xf32, #tpu.memory_space<vmem>>)
      %dma_wait3A_151 = arith.constant 0 : i32
      %dma_wait3A_152 = arith.constant 0 : i32
      %dma_wait3A_153 = arith.constant 0 : i32
      %dma_wait3A_154 = tpu.memref_slice %arg6[%dma_wait3A_151, %dma_wait3A_152, %dma_wait3A_153] : memref<2x16x1024xf32, #tpu.memory_space<vmem>> -> memref<1x16x1024xf32, #tpu.memory_space<vmem>>
      %dma_wait3A_155 = tpu.memref_squeeze %dma_wait3A_154 : memref<1x16x1024xf32, #tpu.memory_space<vmem>> -> memref<16x1024xf32, #tpu.memory_space<vmem>>
      %dma_wait3A_156 = arith.constant 0 : i32
      %dma_wait3A_157 = tpu.memref_slice %arg3[%mul3A_2, %dma_wait3A_156] : memref<16384x1024xf32, #tpu.memory_space<hbm>> -> memref<16x1024xf32, #tpu.memory_space<hbm>>
      %dma_wait3A_158 = arith.constant 0 : i32
      %dma_wait3A_159 = arith.constant 0 : i32
      %dma_wait3A_160 = tpu.memref_slice %arg6[%dma_wait3A_151, %dma_wait3A_158, %dma_wait3A_159] : memref<2x16x1024xf32, #tpu.memory_space<vmem>> -> memref<1x16x1024xf32, #tpu.memory_space<vmem>>
      %dma_wait3A_161 = tpu.memref_squeeze %dma_wait3A_160 : memref<1x16x1024xf32, #tpu.memory_space<vmem>> -> memref<16x1024xf32, #tpu.memory_space<vmem>>
      %dma_wait3A_162 = arith.constant 0 : i32
      %dma_wait3A_163 = tpu.memref_slice %arg3[%mul3A_2, %dma_wait3A_162] : memref<16384x1024xf32, #tpu.memory_space<hbm>> -> memref<16x1024xf32, #tpu.memory_space<hbm>>
      tpu.wait_dma2 semaphore(%arg8 : memref<!tpu.dma_semaphore, #tpu.memory_space<semaphore_mem>>) src(%dma_wait3A_163 : memref<16x1024xf32, #tpu.memory_space<hbm>>) dst(%dma_wait3A_161 : memref<16x1024xf32, #tpu.memory_space<vmem>>)
      %parallel_loop3A_164 = arith.constant 0 : i32
      %parallel_loop3A_165 = arith.constant 16384 : i32
      %parallel_loop3A_166 = arith.constant 64 : i32
      %parallel_loop3A_167 = arith.constant 0 : i32
      %parallel_loop3A_168 = arith.constant 0 : i32
      %parallel_loop3A_169:12 = scf.for %parallel_loop3A_208 = %parallel_loop3A_164 to %parallel_loop3A_165 step %parallel_loop3A_166 iter_args(%parallel_loop3A_209 = %scan3A_93, %parallel_loop3A_210 = %scan3A_94, %parallel_loop3A_211 = %scan3A_95, %parallel_loop3A_212 = %scan3A_96, %parallel_loop3A_213 = %scan3A_97, %parallel_loop3A_214 = %scan3A_98, %parallel_loop3A_215 = %scan3A_99, %parallel_loop3A_216 = %scan3A_100, %parallel_loop3A_217 = %scan3A_101, %parallel_loop3A_218 = %scan3A_102, %parallel_loop3A_219 = %scan3A_103, %parallel_loop3A_220 = %scan3A_104) -> (vector<16xf32>, vector<16xf32>, vector<16xf32>, vector<16xf32>, vector<16xf32>, vector<16xf32>, vector<16xf32>, vector<16xf32>, vector<16xf32>, vector<16xf32>, vector<16xf32>, vector<16xf32>)  : i32 {
        %parallel_loop3A_221 = arith.constant 10 : i32
        %parallel_loop3A_222 = arith.shrui %parallel_loop3A_208, %parallel_loop3A_221 : i32
        %parallel_loop3A_223 = arith.constant 1023 : i32
        %parallel_loop3A_224 = arith.andi %parallel_loop3A_208, %parallel_loop3A_223 : i32
        %parallel_loop3A_225 = tpu.assume_multiple %parallel_loop3A_224, 64 : i32
        %parallel_loop3A_226 = arith.constant 0 : i32
        %parallel_loop3A_227 = arith.addi %parallel_loop3A_225, %parallel_loop3A_226 : i32
        %parallel_loop3A_228 = arith.constant 0 : i32
        %parallel_loop3A_229 = arith.constant 0 : i32
        %parallel_loop3A_230 = tpu.memref_slice %arg5[%parallel_loop3A_167, %parallel_loop3A_228, %parallel_loop3A_229] : memref<2x16x1024xf32, #tpu.memory_space<vmem>> -> memref<1x16x1024xf32, #tpu.memory_space<vmem>>
        %parallel_loop3A_231 = tpu.memref_squeeze %parallel_loop3A_230 : memref<1x16x1024xf32, #tpu.memory_space<vmem>> -> memref<16x1024xf32, #tpu.memory_space<vmem>>
        %parallel_loop3A_232 = arith.index_cast %parallel_loop3A_222 : i32 to index
        %parallel_loop3A_233 = arith.index_cast %parallel_loop3A_227 : i32 to index
        %parallel_loop3A_234 = tpu.vector_load %parallel_loop3A_231[%parallel_loop3A_232, %parallel_loop3A_233] {strides = array<i32>} : memref<16x1024xf32, #tpu.memory_space<vmem>>, vector<1x16xf32>,
        %parallel_loop3A_235 = vector.shape_cast %parallel_loop3A_234 : vector<1x16xf32> to vector<16xf32>
        %parallel_loop3A_236 = arith.constant 0 : i32
        %parallel_loop3A_237 = arith.addi %parallel_loop3A_225, %parallel_loop3A_236 : i32
        %parallel_loop3A_238 = arith.constant 0 : i32
        %parallel_loop3A_239 = arith.constant 0 : i32
        %parallel_loop3A_240 = tpu.memref_slice %arg6[%parallel_loop3A_168, %parallel_loop3A_238, %parallel_loop3A_239] : memref<2x16x1024xf32, #tpu.memory_space<vmem>> -> memref<1x16x1024xf32, #tpu.memory_space<vmem>>
        %parallel_loop3A_241 = tpu.memref_squeeze %parallel_loop3A_240 : memref<1x16x1024xf32, #tpu.memory_space<vmem>> -> memref<16x1024xf32, #tpu.memory_space<vmem>>
        %parallel_loop3A_242 = arith.index_cast %parallel_loop3A_222 : i32 to index
        %parallel_loop3A_243 = arith.index_cast %parallel_loop3A_237 : i32 to index
        %parallel_loop3A_244 = tpu.vector_load %parallel_loop3A_241[%parallel_loop3A_242, %parallel_loop3A_243] {strides = array<i32>} : memref<16x1024xf32, #tpu.memory_space<vmem>>, vector<1x16xf32>,
        %parallel_loop3A_245 = vector.shape_cast %parallel_loop3A_244 : vector<1x16xf32> to vector<16xf32>
        %parallel_loop3A_246 = arith.mulf %parallel_loop3A_235, %parallel_loop3A_245 : vector<16xf32>
        %parallel_loop3A_247 = arith.addf %parallel_loop3A_209, %parallel_loop3A_246 : vector<16xf32>
        %parallel_loop3A_248 = arith.mulf %parallel_loop3A_235, %parallel_loop3A_235 : vector<16xf32>
        %parallel_loop3A_249 = arith.addf %parallel_loop3A_213, %parallel_loop3A_248 : vector<16xf32>
        %parallel_loop3A_250 = arith.mulf %parallel_loop3A_245, %parallel_loop3A_245 : vector<16xf32>
        %parallel_loop3A_251 = arith.addf %parallel_loop3A_217, %parallel_loop3A_250 : vector<16xf32>
        %parallel_loop3A_252 = arith.constant 16 : i32
        %parallel_loop3A_253 = arith.addi %parallel_loop3A_225, %parallel_loop3A_252 : i32
        %parallel_loop3A_254 = arith.constant 0 : i32
        %parallel_loop3A_255 = arith.constant 0 : i32
        %parallel_loop3A_256 = tpu.memref_slice %arg5[%parallel_loop3A_167, %parallel_loop3A_254, %parallel_loop3A_255] : memref<2x16x1024xf32, #tpu.memory_space<vmem>> -> memref<1x16x1024xf32, #tpu.memory_space<vmem>>
        %parallel_loop3A_257 = tpu.memref_squeeze %parallel_loop3A_256 : memref<1x16x1024xf32, #tpu.memory_space<vmem>> -> memref<16x1024xf32, #tpu.memory_space<vmem>>
        %parallel_loop3A_258 = arith.index_cast %parallel_loop3A_222 : i32 to index
        %parallel_loop3A_259 = arith.index_cast %parallel_loop3A_253 : i32 to index
        %parallel_loop3A_260 = tpu.vector_load %parallel_loop3A_257[%parallel_loop3A_258, %parallel_loop3A_259] {strides = array<i32>} : memref<16x1024xf32, #tpu.memory_space<vmem>>, vector<1x16xf32>,
        %parallel_loop3A_261 = vector.shape_cast %parallel_loop3A_260 : vector<1x16xf32> to vector<16xf32>
        %parallel_loop3A_262 = arith.constant 16 : i32
        %parallel_loop3A_263 = arith.addi %parallel_loop3A_225, %parallel_loop3A_262 : i32
        %parallel_loop3A_264 = arith.constant 0 : i32
        %parallel_loop3A_265 = arith.constant 0 : i32
        %parallel_loop3A_266 = tpu.memref_slice %arg6[%parallel_loop3A_168, %parallel_loop3A_264, %parallel_loop3A_265] : memref<2x16x1024xf32, #tpu.memory_space<vmem>> -> memref<1x16x1024xf32, #tpu.memory_space<vmem>>
        %parallel_loop3A_267 = tpu.memref_squeeze %parallel_loop3A_266 : memref<1x16x1024xf32, #tpu.memory_space<vmem>> -> memref<16x1024xf32, #tpu.memory_space<vmem>>
        %parallel_loop3A_268 = arith.index_cast %parallel_loop3A_222 : i32 to index
        %parallel_loop3A_269 = arith.index_cast %parallel_loop3A_263 : i32 to index
        %parallel_loop3A_270 = tpu.vector_load %parallel_loop3A_267[%parallel_loop3A_268, %parallel_loop3A_269] {strides = array<i32>} : memref<16x1024xf32, #tpu.memory_space<vmem>>, vector<1x16xf32>,
        %parallel_loop3A_271 = vector.shape_cast %parallel_loop3A_270 : vector<1x16xf32> to vector<16xf32>
        %parallel_loop3A_272 = arith.mulf %parallel_loop3A_261, %parallel_loop3A_271 : vector<16xf32>
        %parallel_loop3A_273 = arith.addf %parallel_loop3A_210, %parallel_loop3A_272 : vector<16xf32>
        %parallel_loop3A_274 = arith.mulf %parallel_loop3A_261, %parallel_loop3A_261 : vector<16xf32>
        %parallel_loop3A_275 = arith.addf %parallel_loop3A_214, %parallel_loop3A_274 : vector<16xf32>
        %parallel_loop3A_276 = arith.mulf %parallel_loop3A_271, %parallel_loop3A_271 : vector<16xf32>
        %parallel_loop3A_277 = arith.addf %parallel_loop3A_218, %parallel_loop3A_276 : vector<16xf32>
        %parallel_loop3A_278 = arith.constant 32 : i32
        %parallel_loop3A_279 = arith.addi %parallel_loop3A_225, %parallel_loop3A_278 : i32
        %parallel_loop3A_280 = arith.constant 0 : i32
        %parallel_loop3A_281 = arith.constant 0 : i32
        %parallel_loop3A_282 = tpu.memref_slice %arg5[%parallel_loop3A_167, %parallel_loop3A_280, %parallel_loop3A_281] : memref<2x16x1024xf32, #tpu.memory_space<vmem>> -> memref<1x16x1024xf32, #tpu.memory_space<vmem>>
        %parallel_loop3A_283 = tpu.memref_squeeze %parallel_loop3A_282 : memref<1x16x1024xf32, #tpu.memory_space<vmem>> -> memref<16x1024xf32, #tpu.memory_space<vmem>>
        %parallel_loop3A_284 = arith.index_cast %parallel_loop3A_222 : i32 to index
        %parallel_loop3A_285 = arith.index_cast %parallel_loop3A_279 : i32 to index
        %parallel_loop3A_286 = tpu.vector_load %parallel_loop3A_283[%parallel_loop3A_284, %parallel_loop3A_285] {strides = array<i32>} : memref<16x1024xf32, #tpu.memory_space<vmem>>, vector<1x16xf32>,
        %parallel_loop3A_287 = vector.shape_cast %parallel_loop3A_286 : vector<1x16xf32> to vector<16xf32>
        %parallel_loop3A_288 = arith.constant 32 : i32
        %parallel_loop3A_289 = arith.addi %parallel_loop3A_225, %parallel_loop3A_288 : i32
        %parallel_loop3A_290 = arith.constant 0 : i32
        %parallel_loop3A_291 = arith.constant 0 : i32
        %parallel_loop3A_292 = tpu.memref_slice %arg6[%parallel_loop3A_168, %parallel_loop3A_290, %parallel_loop3A_291] : memref<2x16x1024xf32, #tpu.memory_space<vmem>> -> memref<1x16x1024xf32, #tpu.memory_space<vmem>>
        %parallel_loop3A_293 = tpu.memref_squeeze %parallel_loop3A_292 : memref<1x16x1024xf32, #tpu.memory_space<vmem>> -> memref<16x1024xf32, #tpu.memory_space<vmem>>
        %parallel_loop3A_294 = arith.index_cast %parallel_loop3A_222 : i32 to index
        %parallel_loop3A_295 = arith.index_cast %parallel_loop3A_289 : i32 to index
        %parallel_loop3A_296 = tpu.vector_load %parallel_loop3A_293[%parallel_loop3A_294, %parallel_loop3A_295] {strides = array<i32>} : memref<16x1024xf32, #tpu.memory_space<vmem>>, vector<1x16xf32>,
        %parallel_loop3A_297 = vector.shape_cast %parallel_loop3A_296 : vector<1x16xf32> to vector<16xf32>
        %parallel_loop3A_298 = arith.mulf %parallel_loop3A_287, %parallel_loop3A_297 : vector<16xf32>
        %parallel_loop3A_299 = arith.addf %parallel_loop3A_211, %parallel_loop3A_298 : vector<16xf32>
        %parallel_loop3A_300 = arith.mulf %parallel_loop3A_287, %parallel_loop3A_287 : vector<16xf32>
        %parallel_loop3A_301 = arith.addf %parallel_loop3A_215, %parallel_loop3A_300 : vector<16xf32>
        %parallel_loop3A_302 = arith.mulf %parallel_loop3A_297, %parallel_loop3A_297 : vector<16xf32>
        %parallel_loop3A_303 = arith.addf %parallel_loop3A_219, %parallel_loop3A_302 : vector<16xf32>
        %parallel_loop3A_304 = arith.constant 48 : i32
        %parallel_loop3A_305 = arith.addi %parallel_loop3A_225, %parallel_loop3A_304 : i32
        %parallel_loop3A_306 = arith.constant 0 : i32
        %parallel_loop3A_307 = arith.constant 0 : i32
        %parallel_loop3A_308 = tpu.memref_slice %arg5[%parallel_loop3A_167, %parallel_loop3A_306, %parallel_loop3A_307] : memref<2x16x1024xf32, #tpu.memory_space<vmem>> -> memref<1x16x1024xf32, #tpu.memory_space<vmem>>
        %parallel_loop3A_309 = tpu.memref_squeeze %parallel_loop3A_308 : memref<1x16x1024xf32, #tpu.memory_space<vmem>> -> memref<16x1024xf32, #tpu.memory_space<vmem>>
        %parallel_loop3A_310 = arith.index_cast %parallel_loop3A_222 : i32 to index
        %parallel_loop3A_311 = arith.index_cast %parallel_loop3A_305 : i32 to index
        %parallel_loop3A_312 = tpu.vector_load %parallel_loop3A_309[%parallel_loop3A_310, %parallel_loop3A_311] {strides = array<i32>} : memref<16x1024xf32, #tpu.memory_space<vmem>>, vector<1x16xf32>,
        %parallel_loop3A_313 = vector.shape_cast %parallel_loop3A_312 : vector<1x16xf32> to vector<16xf32>
        %parallel_loop3A_314 = arith.constant 48 : i32
        %parallel_loop3A_315 = arith.addi %parallel_loop3A_225, %parallel_loop3A_314 : i32
        %parallel_loop3A_316 = arith.constant 0 : i32
        %parallel_loop3A_317 = arith.constant 0 : i32
        %parallel_loop3A_318 = tpu.memref_slice %arg6[%parallel_loop3A_168, %parallel_loop3A_316, %parallel_loop3A_317] : memref<2x16x1024xf32, #tpu.memory_space<vmem>> -> memref<1x16x1024xf32, #tpu.memory_space<vmem>>
        %parallel_loop3A_319 = tpu.memref_squeeze %parallel_loop3A_318 : memref<1x16x1024xf32, #tpu.memory_space<vmem>> -> memref<16x1024xf32, #tpu.memory_space<vmem>>
        %parallel_loop3A_320 = arith.index_cast %parallel_loop3A_222 : i32 to index
        %parallel_loop3A_321 = arith.index_cast %parallel_loop3A_315 : i32 to index
        %parallel_loop3A_322 = tpu.vector_load %parallel_loop3A_319[%parallel_loop3A_320, %parallel_loop3A_321] {strides = array<i32>} : memref<16x1024xf32, #tpu.memory_space<vmem>>, vector<1x16xf32>,
        %parallel_loop3A_323 = vector.shape_cast %parallel_loop3A_322 : vector<1x16xf32> to vector<16xf32>
        %parallel_loop3A_324 = arith.mulf %parallel_loop3A_313, %parallel_loop3A_323 : vector<16xf32>
        %parallel_loop3A_325 = arith.addf %parallel_loop3A_212, %parallel_loop3A_324 : vector<16xf32>
        %parallel_loop3A_326 = arith.mulf %parallel_loop3A_313, %parallel_loop3A_313 : vector<16xf32>
        %parallel_loop3A_327 = arith.addf %parallel_loop3A_216, %parallel_loop3A_326 : vector<16xf32>
        %parallel_loop3A_328 = arith.mulf %parallel_loop3A_323, %parallel_loop3A_323 : vector<16xf32>
        %parallel_loop3A_329 = arith.addf %parallel_loop3A_220, %parallel_loop3A_328 : vector<16xf32>
        scf.yield %parallel_loop3A_247, %parallel_loop3A_273, %parallel_loop3A_299, %parallel_loop3A_325, %parallel_loop3A_249, %parallel_loop3A_275, %parallel_loop3A_301, %parallel_loop3A_327, %parallel_loop3A_251, %parallel_loop3A_277, %parallel_loop3A_303, %parallel_loop3A_329 : vector<16xf32>, vector<16xf32>, vector<16xf32>, vector<16xf32>, vector<16xf32>, vector<16xf32>, vector<16xf32>, vector<16xf32>, vector<16xf32>, vector<16xf32>, vector<16xf32>, vector<16xf32>
      } {sc.loop_unroll_factor = 2 : i64, sc.parallel_access}
      %mul3A_170 = arith.constant 2 : i32
      %mul3A_171 = arith.muli %mul3A_170, %scan3A_92 : i32
      %add3A_172 = arith.constant 2 : i32
      %add3A_173 = arith.addi %mul3A_171, %add3A_172 : i32
      %lt3A = arith.constant 13 : i32
      %lt3A_174 = arith.cmpi slt, %add3A_173, %lt3A : i32
      %convert_element_type3A = arith.extui %lt3A_174 : i1 to i32
      %cond3A = arith.constant 0 : i32
      %cond3A_175 = arith.cmpi ne, %convert_element_type3A, %cond3A : i32
      scf.if %cond3A_175 {
        %mul3A_208 = arith.constant 2 : i32
        %mul3A_209 = arith.muli %mul3A_208, %scan3A_92 : i32
        %add3A_210 = arith.constant 2 : i32
        %add3A_211 = arith.addi %mul3A_209, %add3A_210 : i32
        %mul3A_212 = arith.constant 16 : i32
        %mul3A_213 = arith.muli %add3A_211, %mul3A_212 : i32
        %add3A_214 = arith.addi %mul3A_2, %mul3A_213 : i32
        %dma_start3A_215 = arith.constant 0 : i32
        %dma_start3A_216 = arith.constant 0 : i32
        %dma_start3A_217 = arith.constant 0 : i32
        %dma_start3A_218 = tpu.memref_slice %arg5[%dma_start3A_215, %dma_start3A_216, %dma_start3A_217] : memref<2x16x1024xf32, #tpu.memory_space<vmem>> -> memref<1x16x1024xf32, #tpu.memory_space<vmem>>
        %dma_start3A_219 = tpu.memref_squeeze %dma_start3A_218 : memref<1x16x1024xf32, #tpu.memory_space<vmem>> -> memref<16x1024xf32, #tpu.memory_space<vmem>>
        %dma_start3A_220 = arith.constant 0 : i32
        %dma_start3A_221 = tpu.memref_slice %arg2[%add3A_214, %dma_start3A_220] : memref<16384x1024xf32, #tpu.memory_space<hbm>> -> memref<16x1024xf32, #tpu.memory_space<hbm>>
        %dma_start3A_222 = arith.constant 0 : i32
        %dma_start3A_223 = arith.constant 0 : i32
        %dma_start3A_224 = tpu.memref_slice %arg5[%dma_start3A_215, %dma_start3A_222, %dma_start3A_223] : memref<2x16x1024xf32, #tpu.memory_space<vmem>> -> memref<1x16x1024xf32, #tpu.memory_space<vmem>>
        %dma_start3A_225 = tpu.memref_squeeze %dma_start3A_224 : memref<1x16x1024xf32, #tpu.memory_space<vmem>> -> memref<16x1024xf32, #tpu.memory_space<vmem>>
        %dma_start3A_226 = arith.constant 0 : i32
        %dma_start3A_227 = tpu.memref_slice %arg2[%add3A_214, %dma_start3A_226] : memref<16384x1024xf32, #tpu.memory_space<hbm>> -> memref<16x1024xf32, #tpu.memory_space<hbm>>
        tpu.enqueue_dma source(%dma_start3A_227 : memref<16x1024xf32, #tpu.memory_space<hbm>>) target(%dma_start3A_225 : memref<16x1024xf32, #tpu.memory_space<vmem>>) target_semaphore(%arg8 : memref<!tpu.dma_semaphore, #tpu.memory_space<semaphore_mem>>)
        %dma_start3A_228 = arith.constant 0 : i32
        %dma_start3A_229 = arith.constant 0 : i32
        %dma_start3A_230 = arith.constant 0 : i32
        %dma_start3A_231 = tpu.memref_slice %arg6[%dma_start3A_228, %dma_start3A_229, %dma_start3A_230] : memref<2x16x1024xf32, #tpu.memory_space<vmem>> -> memref<1x16x1024xf32, #tpu.memory_space<vmem>>
        %dma_start3A_232 = tpu.memref_squeeze %dma_start3A_231 : memref<1x16x1024xf32, #tpu.memory_space<vmem>> -> memref<16x1024xf32, #tpu.memory_space<vmem>>
        %dma_start3A_233 = arith.constant 0 : i32
        %dma_start3A_234 = tpu.memref_slice %arg3[%add3A_214, %dma_start3A_233] : memref<16384x1024xf32, #tpu.memory_space<hbm>> -> memref<16x1024xf32, #tpu.memory_space<hbm>>
        %dma_start3A_235 = arith.constant 0 : i32
        %dma_start3A_236 = arith.constant 0 : i32
        %dma_start3A_237 = tpu.memref_slice %arg6[%dma_start3A_228, %dma_start3A_235, %dma_start3A_236] : memref<2x16x1024xf32, #tpu.memory_space<vmem>> -> memref<1x16x1024xf32, #tpu.memory_space<vmem>>
        %dma_start3A_238 = tpu.memref_squeeze %dma_start3A_237 : memref<1x16x1024xf32, #tpu.memory_space<vmem>> -> memref<16x1024xf32, #tpu.memory_space<vmem>>
        %dma_start3A_239 = arith.constant 0 : i32
        %dma_start3A_240 = tpu.memref_slice %arg3[%add3A_214, %dma_start3A_239] : memref<16384x1024xf32, #tpu.memory_space<hbm>> -> memref<16x1024xf32, #tpu.memory_space<hbm>>
        tpu.enqueue_dma source(%dma_start3A_240 : memref<16x1024xf32, #tpu.memory_space<hbm>>) target(%dma_start3A_238 : memref<16x1024xf32, #tpu.memory_space<vmem>>) target_semaphore(%arg8 : memref<!tpu.dma_semaphore, #tpu.memory_space<semaphore_mem>>)
      } else {
      }
      %dma_wait3A_176 = arith.constant 1 : i32
      %dma_wait3A_177 = arith.constant 0 : i32
      %dma_wait3A_178 = arith.constant 0 : i32
      %dma_wait3A_179 = tpu.memref_slice %arg5[%dma_wait3A_176, %dma_wait3A_177, %dma_wait3A_178] : memref<2x16x1024xf32, #tpu.memory_space<vmem>> -> memref<1x16x1024xf32, #tpu.memory_space<vmem>>
      %dma_wait3A_180 = tpu.memref_squeeze %dma_wait3A_179 : memref<1x16x1024xf32, #tpu.memory_space<vmem>> -> memref<16x1024xf32, #tpu.memory_space<vmem>>
      %dma_wait3A_181 = arith.constant 0 : i32
      %dma_wait3A_182 = tpu.memref_slice %arg2[%mul3A_2, %dma_wait3A_181] : memref<16384x1024xf32, #tpu.memory_space<hbm>> -> memref<16x1024xf32, #tpu.memory_space<hbm>>
      %dma_wait3A_183 = arith.constant 0 : i32
      %dma_wait3A_184 = arith.constant 0 : i32
      %dma_wait3A_185 = tpu.memref_slice %arg5[%dma_wait3A_176, %dma_wait3A_183, %dma_wait3A_184] : memref<2x16x1024xf32, #tpu.memory_space<vmem>> -> memref<1x16x1024xf32, #tpu.memory_space<vmem>>
      %dma_wait3A_186 = tpu.memref_squeeze %dma_wait3A_185 : memref<1x16x1024xf32, #tpu.memory_space<vmem>> -> memref<16x1024xf32, #tpu.memory_space<vmem>>
      %dma_wait3A_187 = arith.constant 0 : i32
      %dma_wait3A_188 = tpu.memref_slice %arg2[%mul3A_2, %dma_wait3A_187] : memref<16384x1024xf32, #tpu.memory_space<hbm>> -> memref<16x1024xf32, #tpu.memory_space<hbm>>
      tpu.wait_dma2 semaphore(%arg9 : memref<!tpu.dma_semaphore, #tpu.memory_space<semaphore_mem>>) src(%dma_wait3A_188 : memref<16x1024xf32, #tpu.memory_space<hbm>>) dst(%dma_wait3A_186 : memref<16x1024xf32, #tpu.memory_space<vmem>>)
      %dma_wait3A_189 = arith.constant 1 : i32
      %dma_wait3A_190 = arith.constant 0 : i32
      %dma_wait3A_191 = arith.constant 0 : i32
      %dma_wait3A_192 = tpu.memref_slice %arg6[%dma_wait3A_189, %dma_wait3A_190, %dma_wait3A_191] : memref<2x16x1024xf32, #tpu.memory_space<vmem>> -> memref<1x16x1024xf32, #tpu.memory_space<vmem>>
      %dma_wait3A_193 = tpu.memref_squeeze %dma_wait3A_192 : memref<1x16x1024xf32, #tpu.memory_space<vmem>> -> memref<16x1024xf32, #tpu.memory_space<vmem>>
      %dma_wait3A_194 = arith.constant 0 : i32
      %dma_wait3A_195 = tpu.memref_slice %arg3[%mul3A_2, %dma_wait3A_194] : memref<16384x1024xf32, #tpu.memory_space<hbm>> -> memref<16x1024xf32, #tpu.memory_space<hbm>>
      %dma_wait3A_196 = arith.constant 0 : i32
      %dma_wait3A_197 = arith.constant 0 : i32
      %dma_wait3A_198 = tpu.memref_slice %arg6[%dma_wait3A_189, %dma_wait3A_196, %dma_wait3A_197] : memref<2x16x1024xf32, #tpu.memory_space<vmem>> -> memref<1x16x1024xf32, #tpu.memory_space<vmem>>
      %dma_wait3A_199 = tpu.memref_squeeze %dma_wait3A_198 : memref<1x16x1024xf32, #tpu.memory_space<vmem>> -> memref<16x1024xf32, #tpu.memory_space<vmem>>
      %dma_wait3A_200 = arith.constant 0 : i32
      %dma_wait3A_201 = tpu.memref_slice %arg3[%mul3A_2, %dma_wait3A_200] : memref<16384x1024xf32, #tpu.memory_space<hbm>> -> memref<16x1024xf32, #tpu.memory_space<hbm>>
      tpu.wait_dma2 semaphore(%arg9 : memref<!tpu.dma_semaphore, #tpu.memory_space<semaphore_mem>>) src(%dma_wait3A_201 : memref<16x1024xf32, #tpu.memory_space<hbm>>) dst(%dma_wait3A_199 : memref<16x1024xf32, #tpu.memory_space<vmem>>)
      %parallel_loop3A_202 = arith.constant 0 : i32
      %parallel_loop3A_203 = arith.constant 16384 : i32
      %parallel_loop3A_204 = arith.constant 64 : i32
      %parallel_loop3A_205 = arith.constant 1 : i32
      %parallel_loop3A_206 = arith.constant 1 : i32
      %parallel_loop3A_207:12 = scf.for %parallel_loop3A_208 = %parallel_loop3A_202 to %parallel_loop3A_203 step %parallel_loop3A_204 iter_args(%parallel_loop3A_209 = %parallel_loop3A_169#0, %parallel_loop3A_210 = %parallel_loop3A_169#1, %parallel_loop3A_211 = %parallel_loop3A_169#2, %parallel_loop3A_212 = %parallel_loop3A_169#3, %parallel_loop3A_213 = %parallel_loop3A_169#4, %parallel_loop3A_214 = %parallel_loop3A_169#5, %parallel_loop3A_215 = %parallel_loop3A_169#6, %parallel_loop3A_216 = %parallel_loop3A_169#7, %parallel_loop3A_217 = %parallel_loop3A_169#8, %parallel_loop3A_218 = %parallel_loop3A_169#9, %parallel_loop3A_219 = %parallel_loop3A_169#10, %parallel_loop3A_220 = %parallel_loop3A_169#11) -> (vector<16xf32>, vector<16xf32>, vector<16xf32>, vector<16xf32>, vector<16xf32>, vector<16xf32>, vector<16xf32>, vector<16xf32>, vector<16xf32>, vector<16xf32>, vector<16xf32>, vector<16xf32>)  : i32 {
        %parallel_loop3A_221 = arith.constant 10 : i32
        %parallel_loop3A_222 = arith.shrui %parallel_loop3A_208, %parallel_loop3A_221 : i32
        %parallel_loop3A_223 = arith.constant 1023 : i32
        %parallel_loop3A_224 = arith.andi %parallel_loop3A_208, %parallel_loop3A_223 : i32
        %parallel_loop3A_225 = tpu.assume_multiple %parallel_loop3A_224, 64 : i32
        %parallel_loop3A_226 = arith.constant 0 : i32
        %parallel_loop3A_227 = arith.addi %parallel_loop3A_225, %parallel_loop3A_226 : i32
        %parallel_loop3A_228 = arith.constant 0 : i32
        %parallel_loop3A_229 = arith.constant 0 : i32
        %parallel_loop3A_230 = tpu.memref_slice %arg5[%parallel_loop3A_205, %parallel_loop3A_228, %parallel_loop3A_229] : memref<2x16x1024xf32, #tpu.memory_space<vmem>> -> memref<1x16x1024xf32, #tpu.memory_space<vmem>>
        %parallel_loop3A_231 = tpu.memref_squeeze %parallel_loop3A_230 : memref<1x16x1024xf32, #tpu.memory_space<vmem>> -> memref<16x1024xf32, #tpu.memory_space<vmem>>
        %parallel_loop3A_232 = arith.index_cast %parallel_loop3A_222 : i32 to index
        %parallel_loop3A_233 = arith.index_cast %parallel_loop3A_227 : i32 to index
        %parallel_loop3A_234 = tpu.vector_load %parallel_loop3A_231[%parallel_loop3A_232, %parallel_loop3A_233] {strides = array<i32>} : memref<16x1024xf32, #tpu.memory_space<vmem>>, vector<1x16xf32>,
        %parallel_loop3A_235 = vector.shape_cast %parallel_loop3A_234 : vector<1x16xf32> to vector<16xf32>
        %parallel_loop3A_236 = arith.constant 0 : i32
        %parallel_loop3A_237 = arith.addi %parallel_loop3A_225, %parallel_loop3A_236 : i32
        %parallel_loop3A_238 = arith.constant 0 : i32
        %parallel_loop3A_239 = arith.constant 0 : i32
        %parallel_loop3A_240 = tpu.memref_slice %arg6[%parallel_loop3A_206, %parallel_loop3A_238, %parallel_loop3A_239] : memref<2x16x1024xf32, #tpu.memory_space<vmem>> -> memref<1x16x1024xf32, #tpu.memory_space<vmem>>
        %parallel_loop3A_241 = tpu.memref_squeeze %parallel_loop3A_240 : memref<1x16x1024xf32, #tpu.memory_space<vmem>> -> memref<16x1024xf32, #tpu.memory_space<vmem>>
        %parallel_loop3A_242 = arith.index_cast %parallel_loop3A_222 : i32 to index
        %parallel_loop3A_243 = arith.index_cast %parallel_loop3A_237 : i32 to index
        %parallel_loop3A_244 = tpu.vector_load %parallel_loop3A_241[%parallel_loop3A_242, %parallel_loop3A_243] {strides = array<i32>} : memref<16x1024xf32, #tpu.memory_space<vmem>>, vector<1x16xf32>,
        %parallel_loop3A_245 = vector.shape_cast %parallel_loop3A_244 : vector<1x16xf32> to vector<16xf32>
        %parallel_loop3A_246 = arith.mulf %parallel_loop3A_235, %parallel_loop3A_245 : vector<16xf32>
        %parallel_loop3A_247 = arith.addf %parallel_loop3A_209, %parallel_loop3A_246 : vector<16xf32>
        %parallel_loop3A_248 = arith.mulf %parallel_loop3A_235, %parallel_loop3A_235 : vector<16xf32>
        %parallel_loop3A_249 = arith.addf %parallel_loop3A_213, %parallel_loop3A_248 : vector<16xf32>
        %parallel_loop3A_250 = arith.mulf %parallel_loop3A_245, %parallel_loop3A_245 : vector<16xf32>
        %parallel_loop3A_251 = arith.addf %parallel_loop3A_217, %parallel_loop3A_250 : vector<16xf32>
        %parallel_loop3A_252 = arith.constant 16 : i32
        %parallel_loop3A_253 = arith.addi %parallel_loop3A_225, %parallel_loop3A_252 : i32
        %parallel_loop3A_254 = arith.constant 0 : i32
        %parallel_loop3A_255 = arith.constant 0 : i32
        %parallel_loop3A_256 = tpu.memref_slice %arg5[%parallel_loop3A_205, %parallel_loop3A_254, %parallel_loop3A_255] : memref<2x16x1024xf32, #tpu.memory_space<vmem>> -> memref<1x16x1024xf32, #tpu.memory_space<vmem>>
        %parallel_loop3A_257 = tpu.memref_squeeze %parallel_loop3A_256 : memref<1x16x1024xf32, #tpu.memory_space<vmem>> -> memref<16x1024xf32, #tpu.memory_space<vmem>>
        %parallel_loop3A_258 = arith.index_cast %parallel_loop3A_222 : i32 to index
        %parallel_loop3A_259 = arith.index_cast %parallel_loop3A_253 : i32 to index
        %parallel_loop3A_260 = tpu.vector_load %parallel_loop3A_257[%parallel_loop3A_258, %parallel_loop3A_259] {strides = array<i32>} : memref<16x1024xf32, #tpu.memory_space<vmem>>, vector<1x16xf32>,
        %parallel_loop3A_261 = vector.shape_cast %parallel_loop3A_260 : vector<1x16xf32> to vector<16xf32>
        %parallel_loop3A_262 = arith.constant 16 : i32
        %parallel_loop3A_263 = arith.addi %parallel_loop3A_225, %parallel_loop3A_262 : i32
        %parallel_loop3A_264 = arith.constant 0 : i32
        %parallel_loop3A_265 = arith.constant 0 : i32
        %parallel_loop3A_266 = tpu.memref_slice %arg6[%parallel_loop3A_206, %parallel_loop3A_264, %parallel_loop3A_265] : memref<2x16x1024xf32, #tpu.memory_space<vmem>> -> memref<1x16x1024xf32, #tpu.memory_space<vmem>>
        %parallel_loop3A_267 = tpu.memref_squeeze %parallel_loop3A_266 : memref<1x16x1024xf32, #tpu.memory_space<vmem>> -> memref<16x1024xf32, #tpu.memory_space<vmem>>
        %parallel_loop3A_268 = arith.index_cast %parallel_loop3A_222 : i32 to index
        %parallel_loop3A_269 = arith.index_cast %parallel_loop3A_263 : i32 to index
        %parallel_loop3A_270 = tpu.vector_load %parallel_loop3A_267[%parallel_loop3A_268, %parallel_loop3A_269] {strides = array<i32>} : memref<16x1024xf32, #tpu.memory_space<vmem>>, vector<1x16xf32>,
        %parallel_loop3A_271 = vector.shape_cast %parallel_loop3A_270 : vector<1x16xf32> to vector<16xf32>
        %parallel_loop3A_272 = arith.mulf %parallel_loop3A_261, %parallel_loop3A_271 : vector<16xf32>
        %parallel_loop3A_273 = arith.addf %parallel_loop3A_210, %parallel_loop3A_272 : vector<16xf32>
        %parallel_loop3A_274 = arith.mulf %parallel_loop3A_261, %parallel_loop3A_261 : vector<16xf32>
        %parallel_loop3A_275 = arith.addf %parallel_loop3A_214, %parallel_loop3A_274 : vector<16xf32>
        %parallel_loop3A_276 = arith.mulf %parallel_loop3A_271, %parallel_loop3A_271 : vector<16xf32>
        %parallel_loop3A_277 = arith.addf %parallel_loop3A_218, %parallel_loop3A_276 : vector<16xf32>
        %parallel_loop3A_278 = arith.constant 32 : i32
        %parallel_loop3A_279 = arith.addi %parallel_loop3A_225, %parallel_loop3A_278 : i32
        %parallel_loop3A_280 = arith.constant 0 : i32
        %parallel_loop3A_281 = arith.constant 0 : i32
        %parallel_loop3A_282 = tpu.memref_slice %arg5[%parallel_loop3A_205, %parallel_loop3A_280, %parallel_loop3A_281] : memref<2x16x1024xf32, #tpu.memory_space<vmem>> -> memref<1x16x1024xf32, #tpu.memory_space<vmem>>
        %parallel_loop3A_283 = tpu.memref_squeeze %parallel_loop3A_282 : memref<1x16x1024xf32, #tpu.memory_space<vmem>> -> memref<16x1024xf32, #tpu.memory_space<vmem>>
        %parallel_loop3A_284 = arith.index_cast %parallel_loop3A_222 : i32 to index
        %parallel_loop3A_285 = arith.index_cast %parallel_loop3A_279 : i32 to index
        %parallel_loop3A_286 = tpu.vector_load %parallel_loop3A_283[%parallel_loop3A_284, %parallel_loop3A_285] {strides = array<i32>} : memref<16x1024xf32, #tpu.memory_space<vmem>>, vector<1x16xf32>,
        %parallel_loop3A_287 = vector.shape_cast %parallel_loop3A_286 : vector<1x16xf32> to vector<16xf32>
        %parallel_loop3A_288 = arith.constant 32 : i32
        %parallel_loop3A_289 = arith.addi %parallel_loop3A_225, %parallel_loop3A_288 : i32
        %parallel_loop3A_290 = arith.constant 0 : i32
        %parallel_loop3A_291 = arith.constant 0 : i32
        %parallel_loop3A_292 = tpu.memref_slice %arg6[%parallel_loop3A_206, %parallel_loop3A_290, %parallel_loop3A_291] : memref<2x16x1024xf32, #tpu.memory_space<vmem>> -> memref<1x16x1024xf32, #tpu.memory_space<vmem>>
        %parallel_loop3A_293 = tpu.memref_squeeze %parallel_loop3A_292 : memref<1x16x1024xf32, #tpu.memory_space<vmem>> -> memref<16x1024xf32, #tpu.memory_space<vmem>>
        %parallel_loop3A_294 = arith.index_cast %parallel_loop3A_222 : i32 to index
        %parallel_loop3A_295 = arith.index_cast %parallel_loop3A_289 : i32 to index
        %parallel_loop3A_296 = tpu.vector_load %parallel_loop3A_293[%parallel_loop3A_294, %parallel_loop3A_295] {strides = array<i32>} : memref<16x1024xf32, #tpu.memory_space<vmem>>, vector<1x16xf32>,
        %parallel_loop3A_297 = vector.shape_cast %parallel_loop3A_296 : vector<1x16xf32> to vector<16xf32>
        %parallel_loop3A_298 = arith.mulf %parallel_loop3A_287, %parallel_loop3A_297 : vector<16xf32>
        %parallel_loop3A_299 = arith.addf %parallel_loop3A_211, %parallel_loop3A_298 : vector<16xf32>
        %parallel_loop3A_300 = arith.mulf %parallel_loop3A_287, %parallel_loop3A_287 : vector<16xf32>
        %parallel_loop3A_301 = arith.addf %parallel_loop3A_215, %parallel_loop3A_300 : vector<16xf32>
        %parallel_loop3A_302 = arith.mulf %parallel_loop3A_297, %parallel_loop3A_297 : vector<16xf32>
        %parallel_loop3A_303 = arith.addf %parallel_loop3A_219, %parallel_loop3A_302 : vector<16xf32>
        %parallel_loop3A_304 = arith.constant 48 : i32
        %parallel_loop3A_305 = arith.addi %parallel_loop3A_225, %parallel_loop3A_304 : i32
        %parallel_loop3A_306 = arith.constant 0 : i32
        %parallel_loop3A_307 = arith.constant 0 : i32
        %parallel_loop3A_308 = tpu.memref_slice %arg5[%parallel_loop3A_205, %parallel_loop3A_306, %parallel_loop3A_307] : memref<2x16x1024xf32, #tpu.memory_space<vmem>> -> memref<1x16x1024xf32, #tpu.memory_space<vmem>>
        %parallel_loop3A_309 = tpu.memref_squeeze %parallel_loop3A_308 : memref<1x16x1024xf32, #tpu.memory_space<vmem>> -> memref<16x1024xf32, #tpu.memory_space<vmem>>
        %parallel_loop3A_310 = arith.index_cast %parallel_loop3A_222 : i32 to index
        %parallel_loop3A_311 = arith.index_cast %parallel_loop3A_305 : i32 to index
        %parallel_loop3A_312 = tpu.vector_load %parallel_loop3A_309[%parallel_loop3A_310, %parallel_loop3A_311] {strides = array<i32>} : memref<16x1024xf32, #tpu.memory_space<vmem>>, vector<1x16xf32>,
        %parallel_loop3A_313 = vector.shape_cast %parallel_loop3A_312 : vector<1x16xf32> to vector<16xf32>
        %parallel_loop3A_314 = arith.constant 48 : i32
        %parallel_loop3A_315 = arith.addi %parallel_loop3A_225, %parallel_loop3A_314 : i32
        %parallel_loop3A_316 = arith.constant 0 : i32
        %parallel_loop3A_317 = arith.constant 0 : i32
        %parallel_loop3A_318 = tpu.memref_slice %arg6[%parallel_loop3A_206, %parallel_loop3A_316, %parallel_loop3A_317] : memref<2x16x1024xf32, #tpu.memory_space<vmem>> -> memref<1x16x1024xf32, #tpu.memory_space<vmem>>
        %parallel_loop3A_319 = tpu.memref_squeeze %parallel_loop3A_318 : memref<1x16x1024xf32, #tpu.memory_space<vmem>> -> memref<16x1024xf32, #tpu.memory_space<vmem>>
        %parallel_loop3A_320 = arith.index_cast %parallel_loop3A_222 : i32 to index
        %parallel_loop3A_321 = arith.index_cast %parallel_loop3A_315 : i32 to index
        %parallel_loop3A_322 = tpu.vector_load %parallel_loop3A_319[%parallel_loop3A_320, %parallel_loop3A_321] {strides = array<i32>} : memref<16x1024xf32, #tpu.memory_space<vmem>>, vector<1x16xf32>,
        %parallel_loop3A_323 = vector.shape_cast %parallel_loop3A_322 : vector<1x16xf32> to vector<16xf32>
        %parallel_loop3A_324 = arith.mulf %parallel_loop3A_313, %parallel_loop3A_323 : vector<16xf32>
        %parallel_loop3A_325 = arith.addf %parallel_loop3A_212, %parallel_loop3A_324 : vector<16xf32>
        %parallel_loop3A_326 = arith.mulf %parallel_loop3A_313, %parallel_loop3A_313 : vector<16xf32>
        %parallel_loop3A_327 = arith.addf %parallel_loop3A_216, %parallel_loop3A_326 : vector<16xf32>
        %parallel_loop3A_328 = arith.mulf %parallel_loop3A_323, %parallel_loop3A_323 : vector<16xf32>
        %parallel_loop3A_329 = arith.addf %parallel_loop3A_220, %parallel_loop3A_328 : vector<16xf32>
        scf.yield %parallel_loop3A_247, %parallel_loop3A_273, %parallel_loop3A_299, %parallel_loop3A_325, %parallel_loop3A_249, %parallel_loop3A_275, %parallel_loop3A_301, %parallel_loop3A_327, %parallel_loop3A_251, %parallel_loop3A_277, %parallel_loop3A_303, %parallel_loop3A_329 : vector<16xf32>, vector<16xf32>, vector<16xf32>, vector<16xf32>, vector<16xf32>, vector<16xf32>, vector<16xf32>, vector<16xf32>, vector<16xf32>, vector<16xf32>, vector<16xf32>, vector<16xf32>
      } {sc.loop_unroll_factor = 2 : i64, sc.parallel_access}
      scf.yield %parallel_loop3A_207#0, %parallel_loop3A_207#1, %parallel_loop3A_207#2, %parallel_loop3A_207#3, %parallel_loop3A_207#4, %parallel_loop3A_207#5, %parallel_loop3A_207#6, %parallel_loop3A_207#7, %parallel_loop3A_207#8, %parallel_loop3A_207#9, %parallel_loop3A_207#10, %parallel_loop3A_207#11 : vector<16xf32>, vector<16xf32>, vector<16xf32>, vector<16xf32>, vector<16xf32>, vector<16xf32>, vector<16xf32>, vector<16xf32>, vector<16xf32>, vector<16xf32>, vector<16xf32>, vector<16xf32>
    }
    %scan3A_41 = arith.constant 6 : i32
    %dma_wait3A = arith.constant 0 : i32
    %dma_wait3A_42 = arith.constant 0 : i32
    %dma_wait3A_43 = arith.constant 0 : i32
    %dma_wait3A_44 = tpu.memref_slice %arg5[%dma_wait3A, %dma_wait3A_42, %dma_wait3A_43] : memref<2x16x1024xf32, #tpu.memory_space<vmem>> -> memref<1x16x1024xf32, #tpu.memory_space<vmem>>
    %dma_wait3A_45 = tpu.memref_squeeze %dma_wait3A_44 : memref<1x16x1024xf32, #tpu.memory_space<vmem>> -> memref<16x1024xf32, #tpu.memory_space<vmem>>
    %dma_wait3A_46 = arith.constant 0 : i32
    %dma_wait3A_47 = tpu.memref_slice %arg2[%mul3A_2, %dma_wait3A_46] : memref<16384x1024xf32, #tpu.memory_space<hbm>> -> memref<16x1024xf32, #tpu.memory_space<hbm>>
    %dma_wait3A_48 = arith.constant 0 : i32
    %dma_wait3A_49 = arith.constant 0 : i32
    %dma_wait3A_50 = tpu.memref_slice %arg5[%dma_wait3A, %dma_wait3A_48, %dma_wait3A_49] : memref<2x16x1024xf32, #tpu.memory_space<vmem>> -> memref<1x16x1024xf32, #tpu.memory_space<vmem>>
    %dma_wait3A_51 = tpu.memref_squeeze %dma_wait3A_50 : memref<1x16x1024xf32, #tpu.memory_space<vmem>> -> memref<16x1024xf32, #tpu.memory_space<vmem>>
    %dma_wait3A_52 = arith.constant 0 : i32
    %dma_wait3A_53 = tpu.memref_slice %arg2[%mul3A_2, %dma_wait3A_52] : memref<16384x1024xf32, #tpu.memory_space<hbm>> -> memref<16x1024xf32, #tpu.memory_space<hbm>>
    tpu.wait_dma2 semaphore(%arg8 : memref<!tpu.dma_semaphore, #tpu.memory_space<semaphore_mem>>) src(%dma_wait3A_53 : memref<16x1024xf32, #tpu.memory_space<hbm>>) dst(%dma_wait3A_51 : memref<16x1024xf32, #tpu.memory_space<vmem>>)
    %dma_wait3A_54 = arith.constant 0 : i32
    %dma_wait3A_55 = arith.constant 0 : i32
    %dma_wait3A_56 = arith.constant 0 : i32
    %dma_wait3A_57 = tpu.memref_slice %arg6[%dma_wait3A_54, %dma_wait3A_55, %dma_wait3A_56] : memref<2x16x1024xf32, #tpu.memory_space<vmem>> -> memref<1x16x1024xf32, #tpu.memory_space<vmem>>
    %dma_wait3A_58 = tpu.memref_squeeze %dma_wait3A_57 : memref<1x16x1024xf32, #tpu.memory_space<vmem>> -> memref<16x1024xf32, #tpu.memory_space<vmem>>
    %dma_wait3A_59 = arith.constant 0 : i32
    %dma_wait3A_60 = tpu.memref_slice %arg3[%mul3A_2, %dma_wait3A_59] : memref<16384x1024xf32, #tpu.memory_space<hbm>> -> memref<16x1024xf32, #tpu.memory_space<hbm>>
    %dma_wait3A_61 = arith.constant 0 : i32
    %dma_wait3A_62 = arith.constant 0 : i32
    %dma_wait3A_63 = tpu.memref_slice %arg6[%dma_wait3A_54, %dma_wait3A_61, %dma_wait3A_62] : memref<2x16x1024xf32, #tpu.memory_space<vmem>> -> memref<1x16x1024xf32, #tpu.memory_space<vmem>>
    %dma_wait3A_64 = tpu.memref_squeeze %dma_wait3A_63 : memref<1x16x1024xf32, #tpu.memory_space<vmem>> -> memref<16x1024xf32, #tpu.memory_space<vmem>>
    %dma_wait3A_65 = arith.constant 0 : i32
    %dma_wait3A_66 = tpu.memref_slice %arg3[%mul3A_2, %dma_wait3A_65] : memref<16384x1024xf32, #tpu.memory_space<hbm>> -> memref<16x1024xf32, #tpu.memory_space<hbm>>
    tpu.wait_dma2 semaphore(%arg8 : memref<!tpu.dma_semaphore, #tpu.memory_space<semaphore_mem>>) src(%dma_wait3A_66 : memref<16x1024xf32, #tpu.memory_space<hbm>>) dst(%dma_wait3A_64 : memref<16x1024xf32, #tpu.memory_space<vmem>>)
    %parallel_loop3A = arith.constant 0 : i32
    %parallel_loop3A_67 = arith.constant 16384 : i32
    %parallel_loop3A_68 = arith.constant 64 : i32
    %parallel_loop3A_69 = arith.constant 0 : i32
    %parallel_loop3A_70 = arith.constant 0 : i32
    %parallel_loop3A_71:12 = scf.for %parallel_loop3A_92 = %parallel_loop3A to %parallel_loop3A_67 step %parallel_loop3A_68 iter_args(%parallel_loop3A_93 = %scan3A_40#0, %parallel_loop3A_94 = %scan3A_40#1, %parallel_loop3A_95 = %scan3A_40#2, %parallel_loop3A_96 = %scan3A_40#3, %parallel_loop3A_97 = %scan3A_40#4, %parallel_loop3A_98 = %scan3A_40#5, %parallel_loop3A_99 = %scan3A_40#6, %parallel_loop3A_100 = %scan3A_40#7, %parallel_loop3A_101 = %scan3A_40#8, %parallel_loop3A_102 = %scan3A_40#9, %parallel_loop3A_103 = %scan3A_40#10, %parallel_loop3A_104 = %scan3A_40#11) -> (vector<16xf32>, vector<16xf32>, vector<16xf32>, vector<16xf32>, vector<16xf32>, vector<16xf32>, vector<16xf32>, vector<16xf32>, vector<16xf32>, vector<16xf32>, vector<16xf32>, vector<16xf32>)  : i32 {
      %parallel_loop3A_105 = arith.constant 10 : i32
      %parallel_loop3A_106 = arith.shrui %parallel_loop3A_92, %parallel_loop3A_105 : i32
      %parallel_loop3A_107 = arith.constant 1023 : i32
      %parallel_loop3A_108 = arith.andi %parallel_loop3A_92, %parallel_loop3A_107 : i32
      %parallel_loop3A_109 = tpu.assume_multiple %parallel_loop3A_108, 64 : i32
      %parallel_loop3A_110 = arith.constant 0 : i32
      %parallel_loop3A_111 = arith.addi %parallel_loop3A_109, %parallel_loop3A_110 : i32
      %parallel_loop3A_112 = arith.constant 0 : i32
      %parallel_loop3A_113 = arith.constant 0 : i32
      %parallel_loop3A_114 = tpu.memref_slice %arg5[%parallel_loop3A_69, %parallel_loop3A_112, %parallel_loop3A_113] : memref<2x16x1024xf32, #tpu.memory_space<vmem>> -> memref<1x16x1024xf32, #tpu.memory_space<vmem>>
      %parallel_loop3A_115 = tpu.memref_squeeze %parallel_loop3A_114 : memref<1x16x1024xf32, #tpu.memory_space<vmem>> -> memref<16x1024xf32, #tpu.memory_space<vmem>>
      %parallel_loop3A_116 = arith.index_cast %parallel_loop3A_106 : i32 to index
      %parallel_loop3A_117 = arith.index_cast %parallel_loop3A_111 : i32 to index
      %parallel_loop3A_118 = tpu.vector_load %parallel_loop3A_115[%parallel_loop3A_116, %parallel_loop3A_117] {strides = array<i32>} : memref<16x1024xf32, #tpu.memory_space<vmem>>, vector<1x16xf32>,
      %parallel_loop3A_119 = vector.shape_cast %parallel_loop3A_118 : vector<1x16xf32> to vector<16xf32>
      %parallel_loop3A_120 = arith.constant 0 : i32
      %parallel_loop3A_121 = arith.addi %parallel_loop3A_109, %parallel_loop3A_120 : i32
      %parallel_loop3A_122 = arith.constant 0 : i32
      %parallel_loop3A_123 = arith.constant 0 : i32
      %parallel_loop3A_124 = tpu.memref_slice %arg6[%parallel_loop3A_70, %parallel_loop3A_122, %parallel_loop3A_123] : memref<2x16x1024xf32, #tpu.memory_space<vmem>> -> memref<1x16x1024xf32, #tpu.memory_space<vmem>>
      %parallel_loop3A_125 = tpu.memref_squeeze %parallel_loop3A_124 : memref<1x16x1024xf32, #tpu.memory_space<vmem>> -> memref<16x1024xf32, #tpu.memory_space<vmem>>
      %parallel_loop3A_126 = arith.index_cast %parallel_loop3A_106 : i32 to index
      %parallel_loop3A_127 = arith.index_cast %parallel_loop3A_121 : i32 to index
      %parallel_loop3A_128 = tpu.vector_load %parallel_loop3A_125[%parallel_loop3A_126, %parallel_loop3A_127] {strides = array<i32>} : memref<16x1024xf32, #tpu.memory_space<vmem>>, vector<1x16xf32>,
      %parallel_loop3A_129 = vector.shape_cast %parallel_loop3A_128 : vector<1x16xf32> to vector<16xf32>
      %parallel_loop3A_130 = arith.mulf %parallel_loop3A_119, %parallel_loop3A_129 : vector<16xf32>
      %parallel_loop3A_131 = arith.addf %parallel_loop3A_93, %parallel_loop3A_130 : vector<16xf32>
      %parallel_loop3A_132 = arith.mulf %parallel_loop3A_119, %parallel_loop3A_119 : vector<16xf32>
      %parallel_loop3A_133 = arith.addf %parallel_loop3A_97, %parallel_loop3A_132 : vector<16xf32>
      %parallel_loop3A_134 = arith.mulf %parallel_loop3A_129, %parallel_loop3A_129 : vector<16xf32>
      %parallel_loop3A_135 = arith.addf %parallel_loop3A_101, %parallel_loop3A_134 : vector<16xf32>
      %parallel_loop3A_136 = arith.constant 16 : i32
      %parallel_loop3A_137 = arith.addi %parallel_loop3A_109, %parallel_loop3A_136 : i32
      %parallel_loop3A_138 = arith.constant 0 : i32
      %parallel_loop3A_139 = arith.constant 0 : i32
      %parallel_loop3A_140 = tpu.memref_slice %arg5[%parallel_loop3A_69, %parallel_loop3A_138, %parallel_loop3A_139] : memref<2x16x1024xf32, #tpu.memory_space<vmem>> -> memref<1x16x1024xf32, #tpu.memory_space<vmem>>
      %parallel_loop3A_141 = tpu.memref_squeeze %parallel_loop3A_140 : memref<1x16x1024xf32, #tpu.memory_space<vmem>> -> memref<16x1024xf32, #tpu.memory_space<vmem>>
      %parallel_loop3A_142 = arith.index_cast %parallel_loop3A_106 : i32 to index
      %parallel_loop3A_143 = arith.index_cast %parallel_loop3A_137 : i32 to index
      %parallel_loop3A_144 = tpu.vector_load %parallel_loop3A_141[%parallel_loop3A_142, %parallel_loop3A_143] {strides = array<i32>} : memref<16x1024xf32, #tpu.memory_space<vmem>>, vector<1x16xf32>,
      %parallel_loop3A_145 = vector.shape_cast %parallel_loop3A_144 : vector<1x16xf32> to vector<16xf32>
      %parallel_loop3A_146 = arith.constant 16 : i32
      %parallel_loop3A_147 = arith.addi %parallel_loop3A_109, %parallel_loop3A_146 : i32
      %parallel_loop3A_148 = arith.constant 0 : i32
      %parallel_loop3A_149 = arith.constant 0 : i32
      %parallel_loop3A_150 = tpu.memref_slice %arg6[%parallel_loop3A_70, %parallel_loop3A_148, %parallel_loop3A_149] : memref<2x16x1024xf32, #tpu.memory_space<vmem>> -> memref<1x16x1024xf32, #tpu.memory_space<vmem>>
      %parallel_loop3A_151 = tpu.memref_squeeze %parallel_loop3A_150 : memref<1x16x1024xf32, #tpu.memory_space<vmem>> -> memref<16x1024xf32, #tpu.memory_space<vmem>>
      %parallel_loop3A_152 = arith.index_cast %parallel_loop3A_106 : i32 to index
      %parallel_loop3A_153 = arith.index_cast %parallel_loop3A_147 : i32 to index
      %parallel_loop3A_154 = tpu.vector_load %parallel_loop3A_151[%parallel_loop3A_152, %parallel_loop3A_153] {strides = array<i32>} : memref<16x1024xf32, #tpu.memory_space<vmem>>, vector<1x16xf32>,
      %parallel_loop3A_155 = vector.shape_cast %parallel_loop3A_154 : vector<1x16xf32> to vector<16xf32>
      %parallel_loop3A_156 = arith.mulf %parallel_loop3A_145, %parallel_loop3A_155 : vector<16xf32>
      %parallel_loop3A_157 = arith.addf %parallel_loop3A_94, %parallel_loop3A_156 : vector<16xf32>
      %parallel_loop3A_158 = arith.mulf %parallel_loop3A_145, %parallel_loop3A_145 : vector<16xf32>
      %parallel_loop3A_159 = arith.addf %parallel_loop3A_98, %parallel_loop3A_158 : vector<16xf32>
      %parallel_loop3A_160 = arith.mulf %parallel_loop3A_155, %parallel_loop3A_155 : vector<16xf32>
      %parallel_loop3A_161 = arith.addf %parallel_loop3A_102, %parallel_loop3A_160 : vector<16xf32>
      %parallel_loop3A_162 = arith.constant 32 : i32
      %parallel_loop3A_163 = arith.addi %parallel_loop3A_109, %parallel_loop3A_162 : i32
      %parallel_loop3A_164 = arith.constant 0 : i32
      %parallel_loop3A_165 = arith.constant 0 : i32
      %parallel_loop3A_166 = tpu.memref_slice %arg5[%parallel_loop3A_69, %parallel_loop3A_164, %parallel_loop3A_165] : memref<2x16x1024xf32, #tpu.memory_space<vmem>> -> memref<1x16x1024xf32, #tpu.memory_space<vmem>>
      %parallel_loop3A_167 = tpu.memref_squeeze %parallel_loop3A_166 : memref<1x16x1024xf32, #tpu.memory_space<vmem>> -> memref<16x1024xf32, #tpu.memory_space<vmem>>
      %parallel_loop3A_168 = arith.index_cast %parallel_loop3A_106 : i32 to index
      %parallel_loop3A_169 = arith.index_cast %parallel_loop3A_163 : i32 to index
      %parallel_loop3A_170 = tpu.vector_load %parallel_loop3A_167[%parallel_loop3A_168, %parallel_loop3A_169] {strides = array<i32>} : memref<16x1024xf32, #tpu.memory_space<vmem>>, vector<1x16xf32>,
      %parallel_loop3A_171 = vector.shape_cast %parallel_loop3A_170 : vector<1x16xf32> to vector<16xf32>
      %parallel_loop3A_172 = arith.constant 32 : i32
      %parallel_loop3A_173 = arith.addi %parallel_loop3A_109, %parallel_loop3A_172 : i32
      %parallel_loop3A_174 = arith.constant 0 : i32
      %parallel_loop3A_175 = arith.constant 0 : i32
      %parallel_loop3A_176 = tpu.memref_slice %arg6[%parallel_loop3A_70, %parallel_loop3A_174, %parallel_loop3A_175] : memref<2x16x1024xf32, #tpu.memory_space<vmem>> -> memref<1x16x1024xf32, #tpu.memory_space<vmem>>
      %parallel_loop3A_177 = tpu.memref_squeeze %parallel_loop3A_176 : memref<1x16x1024xf32, #tpu.memory_space<vmem>> -> memref<16x1024xf32, #tpu.memory_space<vmem>>
      %parallel_loop3A_178 = arith.index_cast %parallel_loop3A_106 : i32 to index
      %parallel_loop3A_179 = arith.index_cast %parallel_loop3A_173 : i32 to index
      %parallel_loop3A_180 = tpu.vector_load %parallel_loop3A_177[%parallel_loop3A_178, %parallel_loop3A_179] {strides = array<i32>} : memref<16x1024xf32, #tpu.memory_space<vmem>>, vector<1x16xf32>,
      %parallel_loop3A_181 = vector.shape_cast %parallel_loop3A_180 : vector<1x16xf32> to vector<16xf32>
      %parallel_loop3A_182 = arith.mulf %parallel_loop3A_171, %parallel_loop3A_181 : vector<16xf32>
      %parallel_loop3A_183 = arith.addf %parallel_loop3A_95, %parallel_loop3A_182 : vector<16xf32>
      %parallel_loop3A_184 = arith.mulf %parallel_loop3A_171, %parallel_loop3A_171 : vector<16xf32>
      %parallel_loop3A_185 = arith.addf %parallel_loop3A_99, %parallel_loop3A_184 : vector<16xf32>
      %parallel_loop3A_186 = arith.mulf %parallel_loop3A_181, %parallel_loop3A_181 : vector<16xf32>
      %parallel_loop3A_187 = arith.addf %parallel_loop3A_103, %parallel_loop3A_186 : vector<16xf32>
      %parallel_loop3A_188 = arith.constant 48 : i32
      %parallel_loop3A_189 = arith.addi %parallel_loop3A_109, %parallel_loop3A_188 : i32
      %parallel_loop3A_190 = arith.constant 0 : i32
      %parallel_loop3A_191 = arith.constant 0 : i32
      %parallel_loop3A_192 = tpu.memref_slice %arg5[%parallel_loop3A_69, %parallel_loop3A_190, %parallel_loop3A_191] : memref<2x16x1024xf32, #tpu.memory_space<vmem>> -> memref<1x16x1024xf32, #tpu.memory_space<vmem>>
      %parallel_loop3A_193 = tpu.memref_squeeze %parallel_loop3A_192 : memref<1x16x1024xf32, #tpu.memory_space<vmem>> -> memref<16x1024xf32, #tpu.memory_space<vmem>>
      %parallel_loop3A_194 = arith.index_cast %parallel_loop3A_106 : i32 to index
      %parallel_loop3A_195 = arith.index_cast %parallel_loop3A_189 : i32 to index
      %parallel_loop3A_196 = tpu.vector_load %parallel_loop3A_193[%parallel_loop3A_194, %parallel_loop3A_195] {strides = array<i32>} : memref<16x1024xf32, #tpu.memory_space<vmem>>, vector<1x16xf32>,
      %parallel_loop3A_197 = vector.shape_cast %parallel_loop3A_196 : vector<1x16xf32> to vector<16xf32>
      %parallel_loop3A_198 = arith.constant 48 : i32
      %parallel_loop3A_199 = arith.addi %parallel_loop3A_109, %parallel_loop3A_198 : i32
      %parallel_loop3A_200 = arith.constant 0 : i32
      %parallel_loop3A_201 = arith.constant 0 : i32
      %parallel_loop3A_202 = tpu.memref_slice %arg6[%parallel_loop3A_70, %parallel_loop3A_200, %parallel_loop3A_201] : memref<2x16x1024xf32, #tpu.memory_space<vmem>> -> memref<1x16x1024xf32, #tpu.memory_space<vmem>>
      %parallel_loop3A_203 = tpu.memref_squeeze %parallel_loop3A_202 : memref<1x16x1024xf32, #tpu.memory_space<vmem>> -> memref<16x1024xf32, #tpu.memory_space<vmem>>
      %parallel_loop3A_204 = arith.index_cast %parallel_loop3A_106 : i32 to index
      %parallel_loop3A_205 = arith.index_cast %parallel_loop3A_199 : i32 to index
      %parallel_loop3A_206 = tpu.vector_load %parallel_loop3A_203[%parallel_loop3A_204, %parallel_loop3A_205] {strides = array<i32>} : memref<16x1024xf32, #tpu.memory_space<vmem>>, vector<1x16xf32>,
      %parallel_loop3A_207 = vector.shape_cast %parallel_loop3A_206 : vector<1x16xf32> to vector<16xf32>
      %parallel_loop3A_208 = arith.mulf %parallel_loop3A_197, %parallel_loop3A_207 : vector<16xf32>
      %parallel_loop3A_209 = arith.addf %parallel_loop3A_96, %parallel_loop3A_208 : vector<16xf32>
      %parallel_loop3A_210 = arith.mulf %parallel_loop3A_197, %parallel_loop3A_197 : vector<16xf32>
      %parallel_loop3A_211 = arith.addf %parallel_loop3A_100, %parallel_loop3A_210 : vector<16xf32>
      %parallel_loop3A_212 = arith.mulf %parallel_loop3A_207, %parallel_loop3A_207 : vector<16xf32>
      %parallel_loop3A_213 = arith.addf %parallel_loop3A_104, %parallel_loop3A_212 : vector<16xf32>
      scf.yield %parallel_loop3A_131, %parallel_loop3A_157, %parallel_loop3A_183, %parallel_loop3A_209, %parallel_loop3A_133, %parallel_loop3A_159, %parallel_loop3A_185, %parallel_loop3A_211, %parallel_loop3A_135, %parallel_loop3A_161, %parallel_loop3A_187, %parallel_loop3A_213 : vector<16xf32>, vector<16xf32>, vector<16xf32>, vector<16xf32>, vector<16xf32>, vector<16xf32>, vector<16xf32>, vector<16xf32>, vector<16xf32>, vector<16xf32>, vector<16xf32>, vector<16xf32>
    } {sc.loop_unroll_factor = 2 : i64, sc.parallel_access}
    %add3A_72 = arith.addf %parallel_loop3A_71#0, %parallel_loop3A_71#1 : vector<16xf32>
    %add3A_73 = arith.addf %add3A_72, %parallel_loop3A_71#2 : vector<16xf32>
    %add3A_74 = arith.addf %add3A_73, %parallel_loop3A_71#3 : vector<16xf32>
    %swap3A = arith.constant 0 : index
    %swap3A_75 = tpu.vector_load %arg7[%swap3A] {strides = array<i32>} : memref<48xf32, #tpu.memory_space<vmem>>, vector<16xf32>,
    %swap3A_76 = vector.shape_cast %swap3A_75 : vector<16xf32> to vector<16xf32>
    %swap3A_77 = vector.shape_cast %add3A_74 : vector<16xf32> to vector<16xf32>
    tpu.vector_store %arg7[%swap3A], %swap3A_77 {strides = array<i32>} : memref<48xf32, #tpu.memory_space<vmem>>, vector<16xf32>,
    %add3A_78 = arith.addf %parallel_loop3A_71#4, %parallel_loop3A_71#5 : vector<16xf32>
    %add3A_79 = arith.addf %add3A_78, %parallel_loop3A_71#6 : vector<16xf32>
    %add3A_80 = arith.addf %add3A_79, %parallel_loop3A_71#7 : vector<16xf32>
    %swap3A_81 = arith.constant 16 : index
    %swap3A_82 = tpu.vector_load %arg7[%swap3A_81] {strides = array<i32>} : memref<48xf32, #tpu.memory_space<vmem>>, vector<16xf32>,
    %swap3A_83 = vector.shape_cast %swap3A_82 : vector<16xf32> to vector<16xf32>
    %swap3A_84 = vector.shape_cast %add3A_80 : vector<16xf32> to vector<16xf32>
    tpu.vector_store %arg7[%swap3A_81], %swap3A_84 {strides = array<i32>} : memref<48xf32, #tpu.memory_space<vmem>>, vector<16xf32>,
    %add3A_85 = arith.addf %parallel_loop3A_71#8, %parallel_loop3A_71#9 : vector<16xf32>
    %add3A_86 = arith.addf %add3A_85, %parallel_loop3A_71#10 : vector<16xf32>
    %add3A_87 = arith.addf %add3A_86, %parallel_loop3A_71#11 : vector<16xf32>
    %swap3A_88 = arith.constant 32 : index
    %swap3A_89 = tpu.vector_load %arg7[%swap3A_88] {strides = array<i32>} : memref<48xf32, #tpu.memory_space<vmem>>, vector<16xf32>,
    %swap3A_90 = vector.shape_cast %swap3A_89 : vector<16xf32> to vector<16xf32>
    %swap3A_91 = vector.shape_cast %add3A_87 : vector<16xf32> to vector<16xf32>
    tpu.vector_store %arg7[%swap3A_88], %swap3A_91 {strides = array<i32>} : memref<48xf32, #tpu.memory_space<vmem>>, vector<16xf32>,
    "tpu.region"() ({
      %run_scoped3A = tpu.sem_alloc : memref<!tpu.dma_semaphore, #tpu.memory_space<semaphore_mem>>
      %dma_start3A_92 = arith.constant 0 : i32
      %dma_start3A_93 = tpu.memref_slice %arg4[%add3A, %dma_start3A_92] : memref<32x48xf32, #tpu.memory_space<hbm>> -> memref<1x48xf32, #tpu.memory_space<hbm>>
      %dma_start3A_94 = tpu.memref_squeeze %dma_start3A_93 : memref<1x48xf32, #tpu.memory_space<hbm>> -> memref<48xf32, #tpu.memory_space<hbm>>
      %dma_start3A_95 = arith.constant 0 : i32
      %dma_start3A_96 = tpu.memref_slice %arg4[%add3A, %dma_start3A_95] : memref<32x48xf32, #tpu.memory_space<hbm>> -> memref<1x48xf32, #tpu.memory_space<hbm>>
      %dma_start3A_97 = tpu.memref_squeeze %dma_start3A_96 : memref<1x48xf32, #tpu.memory_space<hbm>> -> memref<48xf32, #tpu.memory_space<hbm>>
      tpu.enqueue_dma source(%arg7 : memref<48xf32, #tpu.memory_space<vmem>>) target(%dma_start3A_97 : memref<48xf32, #tpu.memory_space<hbm>>) target_semaphore(%run_scoped3A : memref<!tpu.dma_semaphore, #tpu.memory_space<semaphore_mem>>)
      %dma_wait3A_98 = arith.constant 0 : i32
      %dma_wait3A_99 = tpu.memref_slice %arg4[%add3A, %dma_wait3A_98] : memref<32x48xf32, #tpu.memory_space<hbm>> -> memref<1x48xf32, #tpu.memory_space<hbm>>
      %dma_wait3A_100 = tpu.memref_squeeze %dma_wait3A_99 : memref<1x48xf32, #tpu.memory_space<hbm>> -> memref<48xf32, #tpu.memory_space<hbm>>
      %dma_wait3A_101 = arith.constant 0 : i32
      %dma_wait3A_102 = tpu.memref_slice %arg4[%add3A, %dma_wait3A_101] : memref<32x48xf32, #tpu.memory_space<hbm>> -> memref<1x48xf32, #tpu.memory_space<hbm>>
      %dma_wait3A_103 = tpu.memref_squeeze %dma_wait3A_102 : memref<1x48xf32, #tpu.memory_space<hbm>> -> memref<48xf32, #tpu.memory_space<hbm>>
      tpu.wait_dma2 semaphore(%run_scoped3A : memref<!tpu.dma_semaphore, #tpu.memory_space<semaphore_mem>>) src(%arg7 : memref<48xf32, #tpu.memory_space<vmem>>) dst(%dma_wait3A_103 : memref<48xf32, #tpu.memory_space<hbm>>)
      tpu.yield
    }) : () -> ()
    return
  }
}

module attributes {stable_mosaic.version = 14 : i64} {
  func.func @body(%arg0: i32, %arg1: memref<512x1024xf32, #tpu.memory_space<vmem>>, %arg2: memref<512x1024xf32, #tpu.memory_space<vmem>>, %arg3: memref<3xf32, #tpu.memory_space<smem>>, %arg4: memref<3x8x1024xf32, #tpu.memory_space<vmem>>) attributes {dimension_semantics = [#tpu.dimension_semantics<arbitrary>], iteration_bounds = array<i64: 19>, scalar_prefetch = 0 : i64, scratch_operands = 1 : i64, tpu.core_type = #tpu.core_type<tc>, window_params = [{transform_indices = @transform_0, window_bounds = array<i64: 512, 1024>}, {transform_indices = @transform_1, window_bounds = array<i64: 512, 1024>}, {transform_indices = @transform_2, window_bounds = array<i64: 3>}]} {
    %broadcast_in_dim3A = arith.constant 0.000000e+00 : f32
    %broadcast_in_dim3A_0 = vector.broadcast %broadcast_in_dim3A : f32 to vector<8x1024xf32>
    %broadcast_in_dim3A_1 = arith.constant 0.000000e+00 : f32
    %broadcast_in_dim3A_2 = vector.broadcast %broadcast_in_dim3A_1 : f32 to vector<8x1024xf32>
    %broadcast_in_dim3A_3 = arith.constant 0.000000e+00 : f32
    %broadcast_in_dim3A_4 = vector.broadcast %broadcast_in_dim3A_3 : f32 to vector<8x1024xf32>
    %get3A = arith.constant 0 : index
    %get3A_5 = arith.constant 0 : index
    %get3A_6 = vector.load %arg1[%get3A, %get3A_5] : memref<512x1024xf32, #tpu.memory_space<vmem>>, vector<8x1024xf32>
    %get3A_7 = arith.constant 0 : index
    %get3A_8 = arith.constant 0 : index
    %get3A_9 = vector.load %arg2[%get3A_7, %get3A_8] : memref<512x1024xf32, #tpu.memory_space<vmem>>, vector<8x1024xf32>
    %mul3A = arith.mulf %get3A_6, %get3A_9 : vector<8x1024xf32>
    %add3A = arith.addf %broadcast_in_dim3A_0, %mul3A : vector<8x1024xf32>
    %mul3A_10 = arith.mulf %get3A_6, %get3A_6 : vector<8x1024xf32>
    %add3A_11 = arith.addf %broadcast_in_dim3A_2, %mul3A_10 : vector<8x1024xf32>
    %mul3A_12 = arith.mulf %get3A_9, %get3A_9 : vector<8x1024xf32>
    %add3A_13 = arith.addf %broadcast_in_dim3A_4, %mul3A_12 : vector<8x1024xf32>
    %get3A_14 = arith.constant 8 : index
    %get3A_15 = arith.constant 0 : index
    %get3A_16 = vector.load %arg1[%get3A_14, %get3A_15] : memref<512x1024xf32, #tpu.memory_space<vmem>>, vector<8x1024xf32>
    %get3A_17 = arith.constant 8 : index
    %get3A_18 = arith.constant 0 : index
    %get3A_19 = vector.load %arg2[%get3A_17, %get3A_18] : memref<512x1024xf32, #tpu.memory_space<vmem>>, vector<8x1024xf32>
    %mul3A_20 = arith.mulf %get3A_16, %get3A_19 : vector<8x1024xf32>
    %add3A_21 = arith.addf %add3A, %mul3A_20 : vector<8x1024xf32>
    %mul3A_22 = arith.mulf %get3A_16, %get3A_16 : vector<8x1024xf32>
    %add3A_23 = arith.addf %add3A_11, %mul3A_22 : vector<8x1024xf32>
    %mul3A_24 = arith.mulf %get3A_19, %get3A_19 : vector<8x1024xf32>
    %add3A_25 = arith.addf %add3A_13, %mul3A_24 : vector<8x1024xf32>
    %get3A_26 = arith.constant 16 : index
    %get3A_27 = arith.constant 0 : index
    %get3A_28 = vector.load %arg1[%get3A_26, %get3A_27] : memref<512x1024xf32, #tpu.memory_space<vmem>>, vector<8x1024xf32>
    %get3A_29 = arith.constant 16 : index
    %get3A_30 = arith.constant 0 : index
    %get3A_31 = vector.load %arg2[%get3A_29, %get3A_30] : memref<512x1024xf32, #tpu.memory_space<vmem>>, vector<8x1024xf32>
    %mul3A_32 = arith.mulf %get3A_28, %get3A_31 : vector<8x1024xf32>
    %add3A_33 = arith.addf %add3A_21, %mul3A_32 : vector<8x1024xf32>
    %mul3A_34 = arith.mulf %get3A_28, %get3A_28 : vector<8x1024xf32>
    %add3A_35 = arith.addf %add3A_23, %mul3A_34 : vector<8x1024xf32>
    %mul3A_36 = arith.mulf %get3A_31, %get3A_31 : vector<8x1024xf32>
    %add3A_37 = arith.addf %add3A_25, %mul3A_36 : vector<8x1024xf32>
    %get3A_38 = arith.constant 24 : index
    %get3A_39 = arith.constant 0 : index
    %get3A_40 = vector.load %arg1[%get3A_38, %get3A_39] : memref<512x1024xf32, #tpu.memory_space<vmem>>, vector<8x1024xf32>
    %get3A_41 = arith.constant 24 : index
    %get3A_42 = arith.constant 0 : index
    %get3A_43 = vector.load %arg2[%get3A_41, %get3A_42] : memref<512x1024xf32, #tpu.memory_space<vmem>>, vector<8x1024xf32>
    %mul3A_44 = arith.mulf %get3A_40, %get3A_43 : vector<8x1024xf32>
    %add3A_45 = arith.addf %add3A_33, %mul3A_44 : vector<8x1024xf32>
    %mul3A_46 = arith.mulf %get3A_40, %get3A_40 : vector<8x1024xf32>
    %add3A_47 = arith.addf %add3A_35, %mul3A_46 : vector<8x1024xf32>
    %mul3A_48 = arith.mulf %get3A_43, %get3A_43 : vector<8x1024xf32>
    %add3A_49 = arith.addf %add3A_37, %mul3A_48 : vector<8x1024xf32>
    %get3A_50 = arith.constant 32 : index
    %get3A_51 = arith.constant 0 : index
    %get3A_52 = vector.load %arg1[%get3A_50, %get3A_51] : memref<512x1024xf32, #tpu.memory_space<vmem>>, vector<8x1024xf32>
    %get3A_53 = arith.constant 32 : index
    %get3A_54 = arith.constant 0 : index
    %get3A_55 = vector.load %arg2[%get3A_53, %get3A_54] : memref<512x1024xf32, #tpu.memory_space<vmem>>, vector<8x1024xf32>
    %mul3A_56 = arith.mulf %get3A_52, %get3A_55 : vector<8x1024xf32>
    %add3A_57 = arith.addf %add3A_45, %mul3A_56 : vector<8x1024xf32>
    %mul3A_58 = arith.mulf %get3A_52, %get3A_52 : vector<8x1024xf32>
    %add3A_59 = arith.addf %add3A_47, %mul3A_58 : vector<8x1024xf32>
    %mul3A_60 = arith.mulf %get3A_55, %get3A_55 : vector<8x1024xf32>
    %add3A_61 = arith.addf %add3A_49, %mul3A_60 : vector<8x1024xf32>
    %get3A_62 = arith.constant 40 : index
    %get3A_63 = arith.constant 0 : index
    %get3A_64 = vector.load %arg1[%get3A_62, %get3A_63] : memref<512x1024xf32, #tpu.memory_space<vmem>>, vector<8x1024xf32>
    %get3A_65 = arith.constant 40 : index
    %get3A_66 = arith.constant 0 : index
    %get3A_67 = vector.load %arg2[%get3A_65, %get3A_66] : memref<512x1024xf32, #tpu.memory_space<vmem>>, vector<8x1024xf32>
    %mul3A_68 = arith.mulf %get3A_64, %get3A_67 : vector<8x1024xf32>
    %add3A_69 = arith.addf %add3A_57, %mul3A_68 : vector<8x1024xf32>
    %mul3A_70 = arith.mulf %get3A_64, %get3A_64 : vector<8x1024xf32>
    %add3A_71 = arith.addf %add3A_59, %mul3A_70 : vector<8x1024xf32>
    %mul3A_72 = arith.mulf %get3A_67, %get3A_67 : vector<8x1024xf32>
    %add3A_73 = arith.addf %add3A_61, %mul3A_72 : vector<8x1024xf32>
    %get3A_74 = arith.constant 48 : index
    %get3A_75 = arith.constant 0 : index
    %get3A_76 = vector.load %arg1[%get3A_74, %get3A_75] : memref<512x1024xf32, #tpu.memory_space<vmem>>, vector<8x1024xf32>
    %get3A_77 = arith.constant 48 : index
    %get3A_78 = arith.constant 0 : index
    %get3A_79 = vector.load %arg2[%get3A_77, %get3A_78] : memref<512x1024xf32, #tpu.memory_space<vmem>>, vector<8x1024xf32>
    %mul3A_80 = arith.mulf %get3A_76, %get3A_79 : vector<8x1024xf32>
    %add3A_81 = arith.addf %add3A_69, %mul3A_80 : vector<8x1024xf32>
    %mul3A_82 = arith.mulf %get3A_76, %get3A_76 : vector<8x1024xf32>
    %add3A_83 = arith.addf %add3A_71, %mul3A_82 : vector<8x1024xf32>
    %mul3A_84 = arith.mulf %get3A_79, %get3A_79 : vector<8x1024xf32>
    %add3A_85 = arith.addf %add3A_73, %mul3A_84 : vector<8x1024xf32>
    %get3A_86 = arith.constant 56 : index
    %get3A_87 = arith.constant 0 : index
    %get3A_88 = vector.load %arg1[%get3A_86, %get3A_87] : memref<512x1024xf32, #tpu.memory_space<vmem>>, vector<8x1024xf32>
    %get3A_89 = arith.constant 56 : index
    %get3A_90 = arith.constant 0 : index
    %get3A_91 = vector.load %arg2[%get3A_89, %get3A_90] : memref<512x1024xf32, #tpu.memory_space<vmem>>, vector<8x1024xf32>
    %mul3A_92 = arith.mulf %get3A_88, %get3A_91 : vector<8x1024xf32>
    %add3A_93 = arith.addf %add3A_81, %mul3A_92 : vector<8x1024xf32>
    %mul3A_94 = arith.mulf %get3A_88, %get3A_88 : vector<8x1024xf32>
    %add3A_95 = arith.addf %add3A_83, %mul3A_94 : vector<8x1024xf32>
    %mul3A_96 = arith.mulf %get3A_91, %get3A_91 : vector<8x1024xf32>
    %add3A_97 = arith.addf %add3A_85, %mul3A_96 : vector<8x1024xf32>
    %get3A_98 = arith.constant 64 : index
    %get3A_99 = arith.constant 0 : index
    %get3A_100 = vector.load %arg1[%get3A_98, %get3A_99] : memref<512x1024xf32, #tpu.memory_space<vmem>>, vector<8x1024xf32>
    %get3A_101 = arith.constant 64 : index
    %get3A_102 = arith.constant 0 : index
    %get3A_103 = vector.load %arg2[%get3A_101, %get3A_102] : memref<512x1024xf32, #tpu.memory_space<vmem>>, vector<8x1024xf32>
    %mul3A_104 = arith.mulf %get3A_100, %get3A_103 : vector<8x1024xf32>
    %add3A_105 = arith.addf %add3A_93, %mul3A_104 : vector<8x1024xf32>
    %mul3A_106 = arith.mulf %get3A_100, %get3A_100 : vector<8x1024xf32>
    %add3A_107 = arith.addf %add3A_95, %mul3A_106 : vector<8x1024xf32>
    %mul3A_108 = arith.mulf %get3A_103, %get3A_103 : vector<8x1024xf32>
    %add3A_109 = arith.addf %add3A_97, %mul3A_108 : vector<8x1024xf32>
    %get3A_110 = arith.constant 72 : index
    %get3A_111 = arith.constant 0 : index
    %get3A_112 = vector.load %arg1[%get3A_110, %get3A_111] : memref<512x1024xf32, #tpu.memory_space<vmem>>, vector<8x1024xf32>
    %get3A_113 = arith.constant 72 : index
    %get3A_114 = arith.constant 0 : index
    %get3A_115 = vector.load %arg2[%get3A_113, %get3A_114] : memref<512x1024xf32, #tpu.memory_space<vmem>>, vector<8x1024xf32>
    %mul3A_116 = arith.mulf %get3A_112, %get3A_115 : vector<8x1024xf32>
    %add3A_117 = arith.addf %add3A_105, %mul3A_116 : vector<8x1024xf32>
    %mul3A_118 = arith.mulf %get3A_112, %get3A_112 : vector<8x1024xf32>
    %add3A_119 = arith.addf %add3A_107, %mul3A_118 : vector<8x1024xf32>
    %mul3A_120 = arith.mulf %get3A_115, %get3A_115 : vector<8x1024xf32>
    %add3A_121 = arith.addf %add3A_109, %mul3A_120 : vector<8x1024xf32>
    %get3A_122 = arith.constant 80 : index
    %get3A_123 = arith.constant 0 : index
    %get3A_124 = vector.load %arg1[%get3A_122, %get3A_123] : memref<512x1024xf32, #tpu.memory_space<vmem>>, vector<8x1024xf32>
    %get3A_125 = arith.constant 80 : index
    %get3A_126 = arith.constant 0 : index
    %get3A_127 = vector.load %arg2[%get3A_125, %get3A_126] : memref<512x1024xf32, #tpu.memory_space<vmem>>, vector<8x1024xf32>
    %mul3A_128 = arith.mulf %get3A_124, %get3A_127 : vector<8x1024xf32>
    %add3A_129 = arith.addf %add3A_117, %mul3A_128 : vector<8x1024xf32>
    %mul3A_130 = arith.mulf %get3A_124, %get3A_124 : vector<8x1024xf32>
    %add3A_131 = arith.addf %add3A_119, %mul3A_130 : vector<8x1024xf32>
    %mul3A_132 = arith.mulf %get3A_127, %get3A_127 : vector<8x1024xf32>
    %add3A_133 = arith.addf %add3A_121, %mul3A_132 : vector<8x1024xf32>
    %get3A_134 = arith.constant 88 : index
    %get3A_135 = arith.constant 0 : index
    %get3A_136 = vector.load %arg1[%get3A_134, %get3A_135] : memref<512x1024xf32, #tpu.memory_space<vmem>>, vector<8x1024xf32>
    %get3A_137 = arith.constant 88 : index
    %get3A_138 = arith.constant 0 : index
    %get3A_139 = vector.load %arg2[%get3A_137, %get3A_138] : memref<512x1024xf32, #tpu.memory_space<vmem>>, vector<8x1024xf32>
    %mul3A_140 = arith.mulf %get3A_136, %get3A_139 : vector<8x1024xf32>
    %add3A_141 = arith.addf %add3A_129, %mul3A_140 : vector<8x1024xf32>
    %mul3A_142 = arith.mulf %get3A_136, %get3A_136 : vector<8x1024xf32>
    %add3A_143 = arith.addf %add3A_131, %mul3A_142 : vector<8x1024xf32>
    %mul3A_144 = arith.mulf %get3A_139, %get3A_139 : vector<8x1024xf32>
    %add3A_145 = arith.addf %add3A_133, %mul3A_144 : vector<8x1024xf32>
    %get3A_146 = arith.constant 96 : index
    %get3A_147 = arith.constant 0 : index
    %get3A_148 = vector.load %arg1[%get3A_146, %get3A_147] : memref<512x1024xf32, #tpu.memory_space<vmem>>, vector<8x1024xf32>
    %get3A_149 = arith.constant 96 : index
    %get3A_150 = arith.constant 0 : index
    %get3A_151 = vector.load %arg2[%get3A_149, %get3A_150] : memref<512x1024xf32, #tpu.memory_space<vmem>>, vector<8x1024xf32>
    %mul3A_152 = arith.mulf %get3A_148, %get3A_151 : vector<8x1024xf32>
    %add3A_153 = arith.addf %add3A_141, %mul3A_152 : vector<8x1024xf32>
    %mul3A_154 = arith.mulf %get3A_148, %get3A_148 : vector<8x1024xf32>
    %add3A_155 = arith.addf %add3A_143, %mul3A_154 : vector<8x1024xf32>
    %mul3A_156 = arith.mulf %get3A_151, %get3A_151 : vector<8x1024xf32>
    %add3A_157 = arith.addf %add3A_145, %mul3A_156 : vector<8x1024xf32>
    %get3A_158 = arith.constant 104 : index
    %get3A_159 = arith.constant 0 : index
    %get3A_160 = vector.load %arg1[%get3A_158, %get3A_159] : memref<512x1024xf32, #tpu.memory_space<vmem>>, vector<8x1024xf32>
    %get3A_161 = arith.constant 104 : index
    %get3A_162 = arith.constant 0 : index
    %get3A_163 = vector.load %arg2[%get3A_161, %get3A_162] : memref<512x1024xf32, #tpu.memory_space<vmem>>, vector<8x1024xf32>
    %mul3A_164 = arith.mulf %get3A_160, %get3A_163 : vector<8x1024xf32>
    %add3A_165 = arith.addf %add3A_153, %mul3A_164 : vector<8x1024xf32>
    %mul3A_166 = arith.mulf %get3A_160, %get3A_160 : vector<8x1024xf32>
    %add3A_167 = arith.addf %add3A_155, %mul3A_166 : vector<8x1024xf32>
    %mul3A_168 = arith.mulf %get3A_163, %get3A_163 : vector<8x1024xf32>
    %add3A_169 = arith.addf %add3A_157, %mul3A_168 : vector<8x1024xf32>
    %get3A_170 = arith.constant 112 : index
    %get3A_171 = arith.constant 0 : index
    %get3A_172 = vector.load %arg1[%get3A_170, %get3A_171] : memref<512x1024xf32, #tpu.memory_space<vmem>>, vector<8x1024xf32>
    %get3A_173 = arith.constant 112 : index
    %get3A_174 = arith.constant 0 : index
    %get3A_175 = vector.load %arg2[%get3A_173, %get3A_174] : memref<512x1024xf32, #tpu.memory_space<vmem>>, vector<8x1024xf32>
    %mul3A_176 = arith.mulf %get3A_172, %get3A_175 : vector<8x1024xf32>
    %add3A_177 = arith.addf %add3A_165, %mul3A_176 : vector<8x1024xf32>
    %mul3A_178 = arith.mulf %get3A_172, %get3A_172 : vector<8x1024xf32>
    %add3A_179 = arith.addf %add3A_167, %mul3A_178 : vector<8x1024xf32>
    %mul3A_180 = arith.mulf %get3A_175, %get3A_175 : vector<8x1024xf32>
    %add3A_181 = arith.addf %add3A_169, %mul3A_180 : vector<8x1024xf32>
    %get3A_182 = arith.constant 120 : index
    %get3A_183 = arith.constant 0 : index
    %get3A_184 = vector.load %arg1[%get3A_182, %get3A_183] : memref<512x1024xf32, #tpu.memory_space<vmem>>, vector<8x1024xf32>
    %get3A_185 = arith.constant 120 : index
    %get3A_186 = arith.constant 0 : index
    %get3A_187 = vector.load %arg2[%get3A_185, %get3A_186] : memref<512x1024xf32, #tpu.memory_space<vmem>>, vector<8x1024xf32>
    %mul3A_188 = arith.mulf %get3A_184, %get3A_187 : vector<8x1024xf32>
    %add3A_189 = arith.addf %add3A_177, %mul3A_188 : vector<8x1024xf32>
    %mul3A_190 = arith.mulf %get3A_184, %get3A_184 : vector<8x1024xf32>
    %add3A_191 = arith.addf %add3A_179, %mul3A_190 : vector<8x1024xf32>
    %mul3A_192 = arith.mulf %get3A_187, %get3A_187 : vector<8x1024xf32>
    %add3A_193 = arith.addf %add3A_181, %mul3A_192 : vector<8x1024xf32>
    %get3A_194 = arith.constant 128 : index
    %get3A_195 = arith.constant 0 : index
    %get3A_196 = vector.load %arg1[%get3A_194, %get3A_195] : memref<512x1024xf32, #tpu.memory_space<vmem>>, vector<8x1024xf32>
    %get3A_197 = arith.constant 128 : index
    %get3A_198 = arith.constant 0 : index
    %get3A_199 = vector.load %arg2[%get3A_197, %get3A_198] : memref<512x1024xf32, #tpu.memory_space<vmem>>, vector<8x1024xf32>
    %mul3A_200 = arith.mulf %get3A_196, %get3A_199 : vector<8x1024xf32>
    %add3A_201 = arith.addf %add3A_189, %mul3A_200 : vector<8x1024xf32>
    %mul3A_202 = arith.mulf %get3A_196, %get3A_196 : vector<8x1024xf32>
    %add3A_203 = arith.addf %add3A_191, %mul3A_202 : vector<8x1024xf32>
    %mul3A_204 = arith.mulf %get3A_199, %get3A_199 : vector<8x1024xf32>
    %add3A_205 = arith.addf %add3A_193, %mul3A_204 : vector<8x1024xf32>
    %get3A_206 = arith.constant 136 : index
    %get3A_207 = arith.constant 0 : index
    %get3A_208 = vector.load %arg1[%get3A_206, %get3A_207] : memref<512x1024xf32, #tpu.memory_space<vmem>>, vector<8x1024xf32>
    %get3A_209 = arith.constant 136 : index
    %get3A_210 = arith.constant 0 : index
    %get3A_211 = vector.load %arg2[%get3A_209, %get3A_210] : memref<512x1024xf32, #tpu.memory_space<vmem>>, vector<8x1024xf32>
    %mul3A_212 = arith.mulf %get3A_208, %get3A_211 : vector<8x1024xf32>
    %add3A_213 = arith.addf %add3A_201, %mul3A_212 : vector<8x1024xf32>
    %mul3A_214 = arith.mulf %get3A_208, %get3A_208 : vector<8x1024xf32>
    %add3A_215 = arith.addf %add3A_203, %mul3A_214 : vector<8x1024xf32>
    %mul3A_216 = arith.mulf %get3A_211, %get3A_211 : vector<8x1024xf32>
    %add3A_217 = arith.addf %add3A_205, %mul3A_216 : vector<8x1024xf32>
    %get3A_218 = arith.constant 144 : index
    %get3A_219 = arith.constant 0 : index
    %get3A_220 = vector.load %arg1[%get3A_218, %get3A_219] : memref<512x1024xf32, #tpu.memory_space<vmem>>, vector<8x1024xf32>
    %get3A_221 = arith.constant 144 : index
    %get3A_222 = arith.constant 0 : index
    %get3A_223 = vector.load %arg2[%get3A_221, %get3A_222] : memref<512x1024xf32, #tpu.memory_space<vmem>>, vector<8x1024xf32>
    %mul3A_224 = arith.mulf %get3A_220, %get3A_223 : vector<8x1024xf32>
    %add3A_225 = arith.addf %add3A_213, %mul3A_224 : vector<8x1024xf32>
    %mul3A_226 = arith.mulf %get3A_220, %get3A_220 : vector<8x1024xf32>
    %add3A_227 = arith.addf %add3A_215, %mul3A_226 : vector<8x1024xf32>
    %mul3A_228 = arith.mulf %get3A_223, %get3A_223 : vector<8x1024xf32>
    %add3A_229 = arith.addf %add3A_217, %mul3A_228 : vector<8x1024xf32>
    %get3A_230 = arith.constant 152 : index
    %get3A_231 = arith.constant 0 : index
    %get3A_232 = vector.load %arg1[%get3A_230, %get3A_231] : memref<512x1024xf32, #tpu.memory_space<vmem>>, vector<8x1024xf32>
    %get3A_233 = arith.constant 152 : index
    %get3A_234 = arith.constant 0 : index
    %get3A_235 = vector.load %arg2[%get3A_233, %get3A_234] : memref<512x1024xf32, #tpu.memory_space<vmem>>, vector<8x1024xf32>
    %mul3A_236 = arith.mulf %get3A_232, %get3A_235 : vector<8x1024xf32>
    %add3A_237 = arith.addf %add3A_225, %mul3A_236 : vector<8x1024xf32>
    %mul3A_238 = arith.mulf %get3A_232, %get3A_232 : vector<8x1024xf32>
    %add3A_239 = arith.addf %add3A_227, %mul3A_238 : vector<8x1024xf32>
    %mul3A_240 = arith.mulf %get3A_235, %get3A_235 : vector<8x1024xf32>
    %add3A_241 = arith.addf %add3A_229, %mul3A_240 : vector<8x1024xf32>
    %get3A_242 = arith.constant 160 : index
    %get3A_243 = arith.constant 0 : index
    %get3A_244 = vector.load %arg1[%get3A_242, %get3A_243] : memref<512x1024xf32, #tpu.memory_space<vmem>>, vector<8x1024xf32>
    %get3A_245 = arith.constant 160 : index
    %get3A_246 = arith.constant 0 : index
    %get3A_247 = vector.load %arg2[%get3A_245, %get3A_246] : memref<512x1024xf32, #tpu.memory_space<vmem>>, vector<8x1024xf32>
    %mul3A_248 = arith.mulf %get3A_244, %get3A_247 : vector<8x1024xf32>
    %add3A_249 = arith.addf %add3A_237, %mul3A_248 : vector<8x1024xf32>
    %mul3A_250 = arith.mulf %get3A_244, %get3A_244 : vector<8x1024xf32>
    %add3A_251 = arith.addf %add3A_239, %mul3A_250 : vector<8x1024xf32>
    %mul3A_252 = arith.mulf %get3A_247, %get3A_247 : vector<8x1024xf32>
    %add3A_253 = arith.addf %add3A_241, %mul3A_252 : vector<8x1024xf32>
    %get3A_254 = arith.constant 168 : index
    %get3A_255 = arith.constant 0 : index
    %get3A_256 = vector.load %arg1[%get3A_254, %get3A_255] : memref<512x1024xf32, #tpu.memory_space<vmem>>, vector<8x1024xf32>
    %get3A_257 = arith.constant 168 : index
    %get3A_258 = arith.constant 0 : index
    %get3A_259 = vector.load %arg2[%get3A_257, %get3A_258] : memref<512x1024xf32, #tpu.memory_space<vmem>>, vector<8x1024xf32>
    %mul3A_260 = arith.mulf %get3A_256, %get3A_259 : vector<8x1024xf32>
    %add3A_261 = arith.addf %add3A_249, %mul3A_260 : vector<8x1024xf32>
    %mul3A_262 = arith.mulf %get3A_256, %get3A_256 : vector<8x1024xf32>
    %add3A_263 = arith.addf %add3A_251, %mul3A_262 : vector<8x1024xf32>
    %mul3A_264 = arith.mulf %get3A_259, %get3A_259 : vector<8x1024xf32>
    %add3A_265 = arith.addf %add3A_253, %mul3A_264 : vector<8x1024xf32>
    %get3A_266 = arith.constant 176 : index
    %get3A_267 = arith.constant 0 : index
    %get3A_268 = vector.load %arg1[%get3A_266, %get3A_267] : memref<512x1024xf32, #tpu.memory_space<vmem>>, vector<8x1024xf32>
    %get3A_269 = arith.constant 176 : index
    %get3A_270 = arith.constant 0 : index
    %get3A_271 = vector.load %arg2[%get3A_269, %get3A_270] : memref<512x1024xf32, #tpu.memory_space<vmem>>, vector<8x1024xf32>
    %mul3A_272 = arith.mulf %get3A_268, %get3A_271 : vector<8x1024xf32>
    %add3A_273 = arith.addf %add3A_261, %mul3A_272 : vector<8x1024xf32>
    %mul3A_274 = arith.mulf %get3A_268, %get3A_268 : vector<8x1024xf32>
    %add3A_275 = arith.addf %add3A_263, %mul3A_274 : vector<8x1024xf32>
    %mul3A_276 = arith.mulf %get3A_271, %get3A_271 : vector<8x1024xf32>
    %add3A_277 = arith.addf %add3A_265, %mul3A_276 : vector<8x1024xf32>
    %get3A_278 = arith.constant 184 : index
    %get3A_279 = arith.constant 0 : index
    %get3A_280 = vector.load %arg1[%get3A_278, %get3A_279] : memref<512x1024xf32, #tpu.memory_space<vmem>>, vector<8x1024xf32>
    %get3A_281 = arith.constant 184 : index
    %get3A_282 = arith.constant 0 : index
    %get3A_283 = vector.load %arg2[%get3A_281, %get3A_282] : memref<512x1024xf32, #tpu.memory_space<vmem>>, vector<8x1024xf32>
    %mul3A_284 = arith.mulf %get3A_280, %get3A_283 : vector<8x1024xf32>
    %add3A_285 = arith.addf %add3A_273, %mul3A_284 : vector<8x1024xf32>
    %mul3A_286 = arith.mulf %get3A_280, %get3A_280 : vector<8x1024xf32>
    %add3A_287 = arith.addf %add3A_275, %mul3A_286 : vector<8x1024xf32>
    %mul3A_288 = arith.mulf %get3A_283, %get3A_283 : vector<8x1024xf32>
    %add3A_289 = arith.addf %add3A_277, %mul3A_288 : vector<8x1024xf32>
    %get3A_290 = arith.constant 192 : index
    %get3A_291 = arith.constant 0 : index
    %get3A_292 = vector.load %arg1[%get3A_290, %get3A_291] : memref<512x1024xf32, #tpu.memory_space<vmem>>, vector<8x1024xf32>
    %get3A_293 = arith.constant 192 : index
    %get3A_294 = arith.constant 0 : index
    %get3A_295 = vector.load %arg2[%get3A_293, %get3A_294] : memref<512x1024xf32, #tpu.memory_space<vmem>>, vector<8x1024xf32>
    %mul3A_296 = arith.mulf %get3A_292, %get3A_295 : vector<8x1024xf32>
    %add3A_297 = arith.addf %add3A_285, %mul3A_296 : vector<8x1024xf32>
    %mul3A_298 = arith.mulf %get3A_292, %get3A_292 : vector<8x1024xf32>
    %add3A_299 = arith.addf %add3A_287, %mul3A_298 : vector<8x1024xf32>
    %mul3A_300 = arith.mulf %get3A_295, %get3A_295 : vector<8x1024xf32>
    %add3A_301 = arith.addf %add3A_289, %mul3A_300 : vector<8x1024xf32>
    %get3A_302 = arith.constant 200 : index
    %get3A_303 = arith.constant 0 : index
    %get3A_304 = vector.load %arg1[%get3A_302, %get3A_303] : memref<512x1024xf32, #tpu.memory_space<vmem>>, vector<8x1024xf32>
    %get3A_305 = arith.constant 200 : index
    %get3A_306 = arith.constant 0 : index
    %get3A_307 = vector.load %arg2[%get3A_305, %get3A_306] : memref<512x1024xf32, #tpu.memory_space<vmem>>, vector<8x1024xf32>
    %mul3A_308 = arith.mulf %get3A_304, %get3A_307 : vector<8x1024xf32>
    %add3A_309 = arith.addf %add3A_297, %mul3A_308 : vector<8x1024xf32>
    %mul3A_310 = arith.mulf %get3A_304, %get3A_304 : vector<8x1024xf32>
    %add3A_311 = arith.addf %add3A_299, %mul3A_310 : vector<8x1024xf32>
    %mul3A_312 = arith.mulf %get3A_307, %get3A_307 : vector<8x1024xf32>
    %add3A_313 = arith.addf %add3A_301, %mul3A_312 : vector<8x1024xf32>
    %get3A_314 = arith.constant 208 : index
    %get3A_315 = arith.constant 0 : index
    %get3A_316 = vector.load %arg1[%get3A_314, %get3A_315] : memref<512x1024xf32, #tpu.memory_space<vmem>>, vector<8x1024xf32>
    %get3A_317 = arith.constant 208 : index
    %get3A_318 = arith.constant 0 : index
    %get3A_319 = vector.load %arg2[%get3A_317, %get3A_318] : memref<512x1024xf32, #tpu.memory_space<vmem>>, vector<8x1024xf32>
    %mul3A_320 = arith.mulf %get3A_316, %get3A_319 : vector<8x1024xf32>
    %add3A_321 = arith.addf %add3A_309, %mul3A_320 : vector<8x1024xf32>
    %mul3A_322 = arith.mulf %get3A_316, %get3A_316 : vector<8x1024xf32>
    %add3A_323 = arith.addf %add3A_311, %mul3A_322 : vector<8x1024xf32>
    %mul3A_324 = arith.mulf %get3A_319, %get3A_319 : vector<8x1024xf32>
    %add3A_325 = arith.addf %add3A_313, %mul3A_324 : vector<8x1024xf32>
    %get3A_326 = arith.constant 216 : index
    %get3A_327 = arith.constant 0 : index
    %get3A_328 = vector.load %arg1[%get3A_326, %get3A_327] : memref<512x1024xf32, #tpu.memory_space<vmem>>, vector<8x1024xf32>
    %get3A_329 = arith.constant 216 : index
    %get3A_330 = arith.constant 0 : index
    %get3A_331 = vector.load %arg2[%get3A_329, %get3A_330] : memref<512x1024xf32, #tpu.memory_space<vmem>>, vector<8x1024xf32>
    %mul3A_332 = arith.mulf %get3A_328, %get3A_331 : vector<8x1024xf32>
    %add3A_333 = arith.addf %add3A_321, %mul3A_332 : vector<8x1024xf32>
    %mul3A_334 = arith.mulf %get3A_328, %get3A_328 : vector<8x1024xf32>
    %add3A_335 = arith.addf %add3A_323, %mul3A_334 : vector<8x1024xf32>
    %mul3A_336 = arith.mulf %get3A_331, %get3A_331 : vector<8x1024xf32>
    %add3A_337 = arith.addf %add3A_325, %mul3A_336 : vector<8x1024xf32>
    %get3A_338 = arith.constant 224 : index
    %get3A_339 = arith.constant 0 : index
    %get3A_340 = vector.load %arg1[%get3A_338, %get3A_339] : memref<512x1024xf32, #tpu.memory_space<vmem>>, vector<8x1024xf32>
    %get3A_341 = arith.constant 224 : index
    %get3A_342 = arith.constant 0 : index
    %get3A_343 = vector.load %arg2[%get3A_341, %get3A_342] : memref<512x1024xf32, #tpu.memory_space<vmem>>, vector<8x1024xf32>
    %mul3A_344 = arith.mulf %get3A_340, %get3A_343 : vector<8x1024xf32>
    %add3A_345 = arith.addf %add3A_333, %mul3A_344 : vector<8x1024xf32>
    %mul3A_346 = arith.mulf %get3A_340, %get3A_340 : vector<8x1024xf32>
    %add3A_347 = arith.addf %add3A_335, %mul3A_346 : vector<8x1024xf32>
    %mul3A_348 = arith.mulf %get3A_343, %get3A_343 : vector<8x1024xf32>
    %add3A_349 = arith.addf %add3A_337, %mul3A_348 : vector<8x1024xf32>
    %get3A_350 = arith.constant 232 : index
    %get3A_351 = arith.constant 0 : index
    %get3A_352 = vector.load %arg1[%get3A_350, %get3A_351] : memref<512x1024xf32, #tpu.memory_space<vmem>>, vector<8x1024xf32>
    %get3A_353 = arith.constant 232 : index
    %get3A_354 = arith.constant 0 : index
    %get3A_355 = vector.load %arg2[%get3A_353, %get3A_354] : memref<512x1024xf32, #tpu.memory_space<vmem>>, vector<8x1024xf32>
    %mul3A_356 = arith.mulf %get3A_352, %get3A_355 : vector<8x1024xf32>
    %add3A_357 = arith.addf %add3A_345, %mul3A_356 : vector<8x1024xf32>
    %mul3A_358 = arith.mulf %get3A_352, %get3A_352 : vector<8x1024xf32>
    %add3A_359 = arith.addf %add3A_347, %mul3A_358 : vector<8x1024xf32>
    %mul3A_360 = arith.mulf %get3A_355, %get3A_355 : vector<8x1024xf32>
    %add3A_361 = arith.addf %add3A_349, %mul3A_360 : vector<8x1024xf32>
    %get3A_362 = arith.constant 240 : index
    %get3A_363 = arith.constant 0 : index
    %get3A_364 = vector.load %arg1[%get3A_362, %get3A_363] : memref<512x1024xf32, #tpu.memory_space<vmem>>, vector<8x1024xf32>
    %get3A_365 = arith.constant 240 : index
    %get3A_366 = arith.constant 0 : index
    %get3A_367 = vector.load %arg2[%get3A_365, %get3A_366] : memref<512x1024xf32, #tpu.memory_space<vmem>>, vector<8x1024xf32>
    %mul3A_368 = arith.mulf %get3A_364, %get3A_367 : vector<8x1024xf32>
    %add3A_369 = arith.addf %add3A_357, %mul3A_368 : vector<8x1024xf32>
    %mul3A_370 = arith.mulf %get3A_364, %get3A_364 : vector<8x1024xf32>
    %add3A_371 = arith.addf %add3A_359, %mul3A_370 : vector<8x1024xf32>
    %mul3A_372 = arith.mulf %get3A_367, %get3A_367 : vector<8x1024xf32>
    %add3A_373 = arith.addf %add3A_361, %mul3A_372 : vector<8x1024xf32>
    %get3A_374 = arith.constant 248 : index
    %get3A_375 = arith.constant 0 : index
    %get3A_376 = vector.load %arg1[%get3A_374, %get3A_375] : memref<512x1024xf32, #tpu.memory_space<vmem>>, vector<8x1024xf32>
    %get3A_377 = arith.constant 248 : index
    %get3A_378 = arith.constant 0 : index
    %get3A_379 = vector.load %arg2[%get3A_377, %get3A_378] : memref<512x1024xf32, #tpu.memory_space<vmem>>, vector<8x1024xf32>
    %mul3A_380 = arith.mulf %get3A_376, %get3A_379 : vector<8x1024xf32>
    %add3A_381 = arith.addf %add3A_369, %mul3A_380 : vector<8x1024xf32>
    %mul3A_382 = arith.mulf %get3A_376, %get3A_376 : vector<8x1024xf32>
    %add3A_383 = arith.addf %add3A_371, %mul3A_382 : vector<8x1024xf32>
    %mul3A_384 = arith.mulf %get3A_379, %get3A_379 : vector<8x1024xf32>
    %add3A_385 = arith.addf %add3A_373, %mul3A_384 : vector<8x1024xf32>
    %get3A_386 = arith.constant 256 : index
    %get3A_387 = arith.constant 0 : index
    %get3A_388 = vector.load %arg1[%get3A_386, %get3A_387] : memref<512x1024xf32, #tpu.memory_space<vmem>>, vector<8x1024xf32>
    %get3A_389 = arith.constant 256 : index
    %get3A_390 = arith.constant 0 : index
    %get3A_391 = vector.load %arg2[%get3A_389, %get3A_390] : memref<512x1024xf32, #tpu.memory_space<vmem>>, vector<8x1024xf32>
    %mul3A_392 = arith.mulf %get3A_388, %get3A_391 : vector<8x1024xf32>
    %add3A_393 = arith.addf %add3A_381, %mul3A_392 : vector<8x1024xf32>
    %mul3A_394 = arith.mulf %get3A_388, %get3A_388 : vector<8x1024xf32>
    %add3A_395 = arith.addf %add3A_383, %mul3A_394 : vector<8x1024xf32>
    %mul3A_396 = arith.mulf %get3A_391, %get3A_391 : vector<8x1024xf32>
    %add3A_397 = arith.addf %add3A_385, %mul3A_396 : vector<8x1024xf32>
    %get3A_398 = arith.constant 264 : index
    %get3A_399 = arith.constant 0 : index
    %get3A_400 = vector.load %arg1[%get3A_398, %get3A_399] : memref<512x1024xf32, #tpu.memory_space<vmem>>, vector<8x1024xf32>
    %get3A_401 = arith.constant 264 : index
    %get3A_402 = arith.constant 0 : index
    %get3A_403 = vector.load %arg2[%get3A_401, %get3A_402] : memref<512x1024xf32, #tpu.memory_space<vmem>>, vector<8x1024xf32>
    %mul3A_404 = arith.mulf %get3A_400, %get3A_403 : vector<8x1024xf32>
    %add3A_405 = arith.addf %add3A_393, %mul3A_404 : vector<8x1024xf32>
    %mul3A_406 = arith.mulf %get3A_400, %get3A_400 : vector<8x1024xf32>
    %add3A_407 = arith.addf %add3A_395, %mul3A_406 : vector<8x1024xf32>
    %mul3A_408 = arith.mulf %get3A_403, %get3A_403 : vector<8x1024xf32>
    %add3A_409 = arith.addf %add3A_397, %mul3A_408 : vector<8x1024xf32>
    %get3A_410 = arith.constant 272 : index
    %get3A_411 = arith.constant 0 : index
    %get3A_412 = vector.load %arg1[%get3A_410, %get3A_411] : memref<512x1024xf32, #tpu.memory_space<vmem>>, vector<8x1024xf32>
    %get3A_413 = arith.constant 272 : index
    %get3A_414 = arith.constant 0 : index
    %get3A_415 = vector.load %arg2[%get3A_413, %get3A_414] : memref<512x1024xf32, #tpu.memory_space<vmem>>, vector<8x1024xf32>
    %mul3A_416 = arith.mulf %get3A_412, %get3A_415 : vector<8x1024xf32>
    %add3A_417 = arith.addf %add3A_405, %mul3A_416 : vector<8x1024xf32>
    %mul3A_418 = arith.mulf %get3A_412, %get3A_412 : vector<8x1024xf32>
    %add3A_419 = arith.addf %add3A_407, %mul3A_418 : vector<8x1024xf32>
    %mul3A_420 = arith.mulf %get3A_415, %get3A_415 : vector<8x1024xf32>
    %add3A_421 = arith.addf %add3A_409, %mul3A_420 : vector<8x1024xf32>
    %get3A_422 = arith.constant 280 : index
    %get3A_423 = arith.constant 0 : index
    %get3A_424 = vector.load %arg1[%get3A_422, %get3A_423] : memref<512x1024xf32, #tpu.memory_space<vmem>>, vector<8x1024xf32>
    %get3A_425 = arith.constant 280 : index
    %get3A_426 = arith.constant 0 : index
    %get3A_427 = vector.load %arg2[%get3A_425, %get3A_426] : memref<512x1024xf32, #tpu.memory_space<vmem>>, vector<8x1024xf32>
    %mul3A_428 = arith.mulf %get3A_424, %get3A_427 : vector<8x1024xf32>
    %add3A_429 = arith.addf %add3A_417, %mul3A_428 : vector<8x1024xf32>
    %mul3A_430 = arith.mulf %get3A_424, %get3A_424 : vector<8x1024xf32>
    %add3A_431 = arith.addf %add3A_419, %mul3A_430 : vector<8x1024xf32>
    %mul3A_432 = arith.mulf %get3A_427, %get3A_427 : vector<8x1024xf32>
    %add3A_433 = arith.addf %add3A_421, %mul3A_432 : vector<8x1024xf32>
    %get3A_434 = arith.constant 288 : index
    %get3A_435 = arith.constant 0 : index
    %get3A_436 = vector.load %arg1[%get3A_434, %get3A_435] : memref<512x1024xf32, #tpu.memory_space<vmem>>, vector<8x1024xf32>
    %get3A_437 = arith.constant 288 : index
    %get3A_438 = arith.constant 0 : index
    %get3A_439 = vector.load %arg2[%get3A_437, %get3A_438] : memref<512x1024xf32, #tpu.memory_space<vmem>>, vector<8x1024xf32>
    %mul3A_440 = arith.mulf %get3A_436, %get3A_439 : vector<8x1024xf32>
    %add3A_441 = arith.addf %add3A_429, %mul3A_440 : vector<8x1024xf32>
    %mul3A_442 = arith.mulf %get3A_436, %get3A_436 : vector<8x1024xf32>
    %add3A_443 = arith.addf %add3A_431, %mul3A_442 : vector<8x1024xf32>
    %mul3A_444 = arith.mulf %get3A_439, %get3A_439 : vector<8x1024xf32>
    %add3A_445 = arith.addf %add3A_433, %mul3A_444 : vector<8x1024xf32>
    %get3A_446 = arith.constant 296 : index
    %get3A_447 = arith.constant 0 : index
    %get3A_448 = vector.load %arg1[%get3A_446, %get3A_447] : memref<512x1024xf32, #tpu.memory_space<vmem>>, vector<8x1024xf32>
    %get3A_449 = arith.constant 296 : index
    %get3A_450 = arith.constant 0 : index
    %get3A_451 = vector.load %arg2[%get3A_449, %get3A_450] : memref<512x1024xf32, #tpu.memory_space<vmem>>, vector<8x1024xf32>
    %mul3A_452 = arith.mulf %get3A_448, %get3A_451 : vector<8x1024xf32>
    %add3A_453 = arith.addf %add3A_441, %mul3A_452 : vector<8x1024xf32>
    %mul3A_454 = arith.mulf %get3A_448, %get3A_448 : vector<8x1024xf32>
    %add3A_455 = arith.addf %add3A_443, %mul3A_454 : vector<8x1024xf32>
    %mul3A_456 = arith.mulf %get3A_451, %get3A_451 : vector<8x1024xf32>
    %add3A_457 = arith.addf %add3A_445, %mul3A_456 : vector<8x1024xf32>
    %get3A_458 = arith.constant 304 : index
    %get3A_459 = arith.constant 0 : index
    %get3A_460 = vector.load %arg1[%get3A_458, %get3A_459] : memref<512x1024xf32, #tpu.memory_space<vmem>>, vector<8x1024xf32>
    %get3A_461 = arith.constant 304 : index
    %get3A_462 = arith.constant 0 : index
    %get3A_463 = vector.load %arg2[%get3A_461, %get3A_462] : memref<512x1024xf32, #tpu.memory_space<vmem>>, vector<8x1024xf32>
    %mul3A_464 = arith.mulf %get3A_460, %get3A_463 : vector<8x1024xf32>
    %add3A_465 = arith.addf %add3A_453, %mul3A_464 : vector<8x1024xf32>
    %mul3A_466 = arith.mulf %get3A_460, %get3A_460 : vector<8x1024xf32>
    %add3A_467 = arith.addf %add3A_455, %mul3A_466 : vector<8x1024xf32>
    %mul3A_468 = arith.mulf %get3A_463, %get3A_463 : vector<8x1024xf32>
    %add3A_469 = arith.addf %add3A_457, %mul3A_468 : vector<8x1024xf32>
    %get3A_470 = arith.constant 312 : index
    %get3A_471 = arith.constant 0 : index
    %get3A_472 = vector.load %arg1[%get3A_470, %get3A_471] : memref<512x1024xf32, #tpu.memory_space<vmem>>, vector<8x1024xf32>
    %get3A_473 = arith.constant 312 : index
    %get3A_474 = arith.constant 0 : index
    %get3A_475 = vector.load %arg2[%get3A_473, %get3A_474] : memref<512x1024xf32, #tpu.memory_space<vmem>>, vector<8x1024xf32>
    %mul3A_476 = arith.mulf %get3A_472, %get3A_475 : vector<8x1024xf32>
    %add3A_477 = arith.addf %add3A_465, %mul3A_476 : vector<8x1024xf32>
    %mul3A_478 = arith.mulf %get3A_472, %get3A_472 : vector<8x1024xf32>
    %add3A_479 = arith.addf %add3A_467, %mul3A_478 : vector<8x1024xf32>
    %mul3A_480 = arith.mulf %get3A_475, %get3A_475 : vector<8x1024xf32>
    %add3A_481 = arith.addf %add3A_469, %mul3A_480 : vector<8x1024xf32>
    %get3A_482 = arith.constant 320 : index
    %get3A_483 = arith.constant 0 : index
    %get3A_484 = vector.load %arg1[%get3A_482, %get3A_483] : memref<512x1024xf32, #tpu.memory_space<vmem>>, vector<8x1024xf32>
    %get3A_485 = arith.constant 320 : index
    %get3A_486 = arith.constant 0 : index
    %get3A_487 = vector.load %arg2[%get3A_485, %get3A_486] : memref<512x1024xf32, #tpu.memory_space<vmem>>, vector<8x1024xf32>
    %mul3A_488 = arith.mulf %get3A_484, %get3A_487 : vector<8x1024xf32>
    %add3A_489 = arith.addf %add3A_477, %mul3A_488 : vector<8x1024xf32>
    %mul3A_490 = arith.mulf %get3A_484, %get3A_484 : vector<8x1024xf32>
    %add3A_491 = arith.addf %add3A_479, %mul3A_490 : vector<8x1024xf32>
    %mul3A_492 = arith.mulf %get3A_487, %get3A_487 : vector<8x1024xf32>
    %add3A_493 = arith.addf %add3A_481, %mul3A_492 : vector<8x1024xf32>
    %get3A_494 = arith.constant 328 : index
    %get3A_495 = arith.constant 0 : index
    %get3A_496 = vector.load %arg1[%get3A_494, %get3A_495] : memref<512x1024xf32, #tpu.memory_space<vmem>>, vector<8x1024xf32>
    %get3A_497 = arith.constant 328 : index
    %get3A_498 = arith.constant 0 : index
    %get3A_499 = vector.load %arg2[%get3A_497, %get3A_498] : memref<512x1024xf32, #tpu.memory_space<vmem>>, vector<8x1024xf32>
    %mul3A_500 = arith.mulf %get3A_496, %get3A_499 : vector<8x1024xf32>
    %add3A_501 = arith.addf %add3A_489, %mul3A_500 : vector<8x1024xf32>
    %mul3A_502 = arith.mulf %get3A_496, %get3A_496 : vector<8x1024xf32>
    %add3A_503 = arith.addf %add3A_491, %mul3A_502 : vector<8x1024xf32>
    %mul3A_504 = arith.mulf %get3A_499, %get3A_499 : vector<8x1024xf32>
    %add3A_505 = arith.addf %add3A_493, %mul3A_504 : vector<8x1024xf32>
    %get3A_506 = arith.constant 336 : index
    %get3A_507 = arith.constant 0 : index
    %get3A_508 = vector.load %arg1[%get3A_506, %get3A_507] : memref<512x1024xf32, #tpu.memory_space<vmem>>, vector<8x1024xf32>
    %get3A_509 = arith.constant 336 : index
    %get3A_510 = arith.constant 0 : index
    %get3A_511 = vector.load %arg2[%get3A_509, %get3A_510] : memref<512x1024xf32, #tpu.memory_space<vmem>>, vector<8x1024xf32>
    %mul3A_512 = arith.mulf %get3A_508, %get3A_511 : vector<8x1024xf32>
    %add3A_513 = arith.addf %add3A_501, %mul3A_512 : vector<8x1024xf32>
    %mul3A_514 = arith.mulf %get3A_508, %get3A_508 : vector<8x1024xf32>
    %add3A_515 = arith.addf %add3A_503, %mul3A_514 : vector<8x1024xf32>
    %mul3A_516 = arith.mulf %get3A_511, %get3A_511 : vector<8x1024xf32>
    %add3A_517 = arith.addf %add3A_505, %mul3A_516 : vector<8x1024xf32>
    %get3A_518 = arith.constant 344 : index
    %get3A_519 = arith.constant 0 : index
    %get3A_520 = vector.load %arg1[%get3A_518, %get3A_519] : memref<512x1024xf32, #tpu.memory_space<vmem>>, vector<8x1024xf32>
    %get3A_521 = arith.constant 344 : index
    %get3A_522 = arith.constant 0 : index
    %get3A_523 = vector.load %arg2[%get3A_521, %get3A_522] : memref<512x1024xf32, #tpu.memory_space<vmem>>, vector<8x1024xf32>
    %mul3A_524 = arith.mulf %get3A_520, %get3A_523 : vector<8x1024xf32>
    %add3A_525 = arith.addf %add3A_513, %mul3A_524 : vector<8x1024xf32>
    %mul3A_526 = arith.mulf %get3A_520, %get3A_520 : vector<8x1024xf32>
    %add3A_527 = arith.addf %add3A_515, %mul3A_526 : vector<8x1024xf32>
    %mul3A_528 = arith.mulf %get3A_523, %get3A_523 : vector<8x1024xf32>
    %add3A_529 = arith.addf %add3A_517, %mul3A_528 : vector<8x1024xf32>
    %get3A_530 = arith.constant 352 : index
    %get3A_531 = arith.constant 0 : index
    %get3A_532 = vector.load %arg1[%get3A_530, %get3A_531] : memref<512x1024xf32, #tpu.memory_space<vmem>>, vector<8x1024xf32>
    %get3A_533 = arith.constant 352 : index
    %get3A_534 = arith.constant 0 : index
    %get3A_535 = vector.load %arg2[%get3A_533, %get3A_534] : memref<512x1024xf32, #tpu.memory_space<vmem>>, vector<8x1024xf32>
    %mul3A_536 = arith.mulf %get3A_532, %get3A_535 : vector<8x1024xf32>
    %add3A_537 = arith.addf %add3A_525, %mul3A_536 : vector<8x1024xf32>
    %mul3A_538 = arith.mulf %get3A_532, %get3A_532 : vector<8x1024xf32>
    %add3A_539 = arith.addf %add3A_527, %mul3A_538 : vector<8x1024xf32>
    %mul3A_540 = arith.mulf %get3A_535, %get3A_535 : vector<8x1024xf32>
    %add3A_541 = arith.addf %add3A_529, %mul3A_540 : vector<8x1024xf32>
    %get3A_542 = arith.constant 360 : index
    %get3A_543 = arith.constant 0 : index
    %get3A_544 = vector.load %arg1[%get3A_542, %get3A_543] : memref<512x1024xf32, #tpu.memory_space<vmem>>, vector<8x1024xf32>
    %get3A_545 = arith.constant 360 : index
    %get3A_546 = arith.constant 0 : index
    %get3A_547 = vector.load %arg2[%get3A_545, %get3A_546] : memref<512x1024xf32, #tpu.memory_space<vmem>>, vector<8x1024xf32>
    %mul3A_548 = arith.mulf %get3A_544, %get3A_547 : vector<8x1024xf32>
    %add3A_549 = arith.addf %add3A_537, %mul3A_548 : vector<8x1024xf32>
    %mul3A_550 = arith.mulf %get3A_544, %get3A_544 : vector<8x1024xf32>
    %add3A_551 = arith.addf %add3A_539, %mul3A_550 : vector<8x1024xf32>
    %mul3A_552 = arith.mulf %get3A_547, %get3A_547 : vector<8x1024xf32>
    %add3A_553 = arith.addf %add3A_541, %mul3A_552 : vector<8x1024xf32>
    %get3A_554 = arith.constant 368 : index
    %get3A_555 = arith.constant 0 : index
    %get3A_556 = vector.load %arg1[%get3A_554, %get3A_555] : memref<512x1024xf32, #tpu.memory_space<vmem>>, vector<8x1024xf32>
    %get3A_557 = arith.constant 368 : index
    %get3A_558 = arith.constant 0 : index
    %get3A_559 = vector.load %arg2[%get3A_557, %get3A_558] : memref<512x1024xf32, #tpu.memory_space<vmem>>, vector<8x1024xf32>
    %mul3A_560 = arith.mulf %get3A_556, %get3A_559 : vector<8x1024xf32>
    %add3A_561 = arith.addf %add3A_549, %mul3A_560 : vector<8x1024xf32>
    %mul3A_562 = arith.mulf %get3A_556, %get3A_556 : vector<8x1024xf32>
    %add3A_563 = arith.addf %add3A_551, %mul3A_562 : vector<8x1024xf32>
    %mul3A_564 = arith.mulf %get3A_559, %get3A_559 : vector<8x1024xf32>
    %add3A_565 = arith.addf %add3A_553, %mul3A_564 : vector<8x1024xf32>
    %get3A_566 = arith.constant 376 : index
    %get3A_567 = arith.constant 0 : index
    %get3A_568 = vector.load %arg1[%get3A_566, %get3A_567] : memref<512x1024xf32, #tpu.memory_space<vmem>>, vector<8x1024xf32>
    %get3A_569 = arith.constant 376 : index
    %get3A_570 = arith.constant 0 : index
    %get3A_571 = vector.load %arg2[%get3A_569, %get3A_570] : memref<512x1024xf32, #tpu.memory_space<vmem>>, vector<8x1024xf32>
    %mul3A_572 = arith.mulf %get3A_568, %get3A_571 : vector<8x1024xf32>
    %add3A_573 = arith.addf %add3A_561, %mul3A_572 : vector<8x1024xf32>
    %mul3A_574 = arith.mulf %get3A_568, %get3A_568 : vector<8x1024xf32>
    %add3A_575 = arith.addf %add3A_563, %mul3A_574 : vector<8x1024xf32>
    %mul3A_576 = arith.mulf %get3A_571, %get3A_571 : vector<8x1024xf32>
    %add3A_577 = arith.addf %add3A_565, %mul3A_576 : vector<8x1024xf32>
    %get3A_578 = arith.constant 384 : index
    %get3A_579 = arith.constant 0 : index
    %get3A_580 = vector.load %arg1[%get3A_578, %get3A_579] : memref<512x1024xf32, #tpu.memory_space<vmem>>, vector<8x1024xf32>
    %get3A_581 = arith.constant 384 : index
    %get3A_582 = arith.constant 0 : index
    %get3A_583 = vector.load %arg2[%get3A_581, %get3A_582] : memref<512x1024xf32, #tpu.memory_space<vmem>>, vector<8x1024xf32>
    %mul3A_584 = arith.mulf %get3A_580, %get3A_583 : vector<8x1024xf32>
    %add3A_585 = arith.addf %add3A_573, %mul3A_584 : vector<8x1024xf32>
    %mul3A_586 = arith.mulf %get3A_580, %get3A_580 : vector<8x1024xf32>
    %add3A_587 = arith.addf %add3A_575, %mul3A_586 : vector<8x1024xf32>
    %mul3A_588 = arith.mulf %get3A_583, %get3A_583 : vector<8x1024xf32>
    %add3A_589 = arith.addf %add3A_577, %mul3A_588 : vector<8x1024xf32>
    %get3A_590 = arith.constant 392 : index
    %get3A_591 = arith.constant 0 : index
    %get3A_592 = vector.load %arg1[%get3A_590, %get3A_591] : memref<512x1024xf32, #tpu.memory_space<vmem>>, vector<8x1024xf32>
    %get3A_593 = arith.constant 392 : index
    %get3A_594 = arith.constant 0 : index
    %get3A_595 = vector.load %arg2[%get3A_593, %get3A_594] : memref<512x1024xf32, #tpu.memory_space<vmem>>, vector<8x1024xf32>
    %mul3A_596 = arith.mulf %get3A_592, %get3A_595 : vector<8x1024xf32>
    %add3A_597 = arith.addf %add3A_585, %mul3A_596 : vector<8x1024xf32>
    %mul3A_598 = arith.mulf %get3A_592, %get3A_592 : vector<8x1024xf32>
    %add3A_599 = arith.addf %add3A_587, %mul3A_598 : vector<8x1024xf32>
    %mul3A_600 = arith.mulf %get3A_595, %get3A_595 : vector<8x1024xf32>
    %add3A_601 = arith.addf %add3A_589, %mul3A_600 : vector<8x1024xf32>
    %get3A_602 = arith.constant 400 : index
    %get3A_603 = arith.constant 0 : index
    %get3A_604 = vector.load %arg1[%get3A_602, %get3A_603] : memref<512x1024xf32, #tpu.memory_space<vmem>>, vector<8x1024xf32>
    %get3A_605 = arith.constant 400 : index
    %get3A_606 = arith.constant 0 : index
    %get3A_607 = vector.load %arg2[%get3A_605, %get3A_606] : memref<512x1024xf32, #tpu.memory_space<vmem>>, vector<8x1024xf32>
    %mul3A_608 = arith.mulf %get3A_604, %get3A_607 : vector<8x1024xf32>
    %add3A_609 = arith.addf %add3A_597, %mul3A_608 : vector<8x1024xf32>
    %mul3A_610 = arith.mulf %get3A_604, %get3A_604 : vector<8x1024xf32>
    %add3A_611 = arith.addf %add3A_599, %mul3A_610 : vector<8x1024xf32>
    %mul3A_612 = arith.mulf %get3A_607, %get3A_607 : vector<8x1024xf32>
    %add3A_613 = arith.addf %add3A_601, %mul3A_612 : vector<8x1024xf32>
    %get3A_614 = arith.constant 408 : index
    %get3A_615 = arith.constant 0 : index
    %get3A_616 = vector.load %arg1[%get3A_614, %get3A_615] : memref<512x1024xf32, #tpu.memory_space<vmem>>, vector<8x1024xf32>
    %get3A_617 = arith.constant 408 : index
    %get3A_618 = arith.constant 0 : index
    %get3A_619 = vector.load %arg2[%get3A_617, %get3A_618] : memref<512x1024xf32, #tpu.memory_space<vmem>>, vector<8x1024xf32>
    %mul3A_620 = arith.mulf %get3A_616, %get3A_619 : vector<8x1024xf32>
    %add3A_621 = arith.addf %add3A_609, %mul3A_620 : vector<8x1024xf32>
    %mul3A_622 = arith.mulf %get3A_616, %get3A_616 : vector<8x1024xf32>
    %add3A_623 = arith.addf %add3A_611, %mul3A_622 : vector<8x1024xf32>
    %mul3A_624 = arith.mulf %get3A_619, %get3A_619 : vector<8x1024xf32>
    %add3A_625 = arith.addf %add3A_613, %mul3A_624 : vector<8x1024xf32>
    %get3A_626 = arith.constant 416 : index
    %get3A_627 = arith.constant 0 : index
    %get3A_628 = vector.load %arg1[%get3A_626, %get3A_627] : memref<512x1024xf32, #tpu.memory_space<vmem>>, vector<8x1024xf32>
    %get3A_629 = arith.constant 416 : index
    %get3A_630 = arith.constant 0 : index
    %get3A_631 = vector.load %arg2[%get3A_629, %get3A_630] : memref<512x1024xf32, #tpu.memory_space<vmem>>, vector<8x1024xf32>
    %mul3A_632 = arith.mulf %get3A_628, %get3A_631 : vector<8x1024xf32>
    %add3A_633 = arith.addf %add3A_621, %mul3A_632 : vector<8x1024xf32>
    %mul3A_634 = arith.mulf %get3A_628, %get3A_628 : vector<8x1024xf32>
    %add3A_635 = arith.addf %add3A_623, %mul3A_634 : vector<8x1024xf32>
    %mul3A_636 = arith.mulf %get3A_631, %get3A_631 : vector<8x1024xf32>
    %add3A_637 = arith.addf %add3A_625, %mul3A_636 : vector<8x1024xf32>
    %get3A_638 = arith.constant 424 : index
    %get3A_639 = arith.constant 0 : index
    %get3A_640 = vector.load %arg1[%get3A_638, %get3A_639] : memref<512x1024xf32, #tpu.memory_space<vmem>>, vector<8x1024xf32>
    %get3A_641 = arith.constant 424 : index
    %get3A_642 = arith.constant 0 : index
    %get3A_643 = vector.load %arg2[%get3A_641, %get3A_642] : memref<512x1024xf32, #tpu.memory_space<vmem>>, vector<8x1024xf32>
    %mul3A_644 = arith.mulf %get3A_640, %get3A_643 : vector<8x1024xf32>
    %add3A_645 = arith.addf %add3A_633, %mul3A_644 : vector<8x1024xf32>
    %mul3A_646 = arith.mulf %get3A_640, %get3A_640 : vector<8x1024xf32>
    %add3A_647 = arith.addf %add3A_635, %mul3A_646 : vector<8x1024xf32>
    %mul3A_648 = arith.mulf %get3A_643, %get3A_643 : vector<8x1024xf32>
    %add3A_649 = arith.addf %add3A_637, %mul3A_648 : vector<8x1024xf32>
    %get3A_650 = arith.constant 432 : index
    %get3A_651 = arith.constant 0 : index
    %get3A_652 = vector.load %arg1[%get3A_650, %get3A_651] : memref<512x1024xf32, #tpu.memory_space<vmem>>, vector<8x1024xf32>
    %get3A_653 = arith.constant 432 : index
    %get3A_654 = arith.constant 0 : index
    %get3A_655 = vector.load %arg2[%get3A_653, %get3A_654] : memref<512x1024xf32, #tpu.memory_space<vmem>>, vector<8x1024xf32>
    %mul3A_656 = arith.mulf %get3A_652, %get3A_655 : vector<8x1024xf32>
    %add3A_657 = arith.addf %add3A_645, %mul3A_656 : vector<8x1024xf32>
    %mul3A_658 = arith.mulf %get3A_652, %get3A_652 : vector<8x1024xf32>
    %add3A_659 = arith.addf %add3A_647, %mul3A_658 : vector<8x1024xf32>
    %mul3A_660 = arith.mulf %get3A_655, %get3A_655 : vector<8x1024xf32>
    %add3A_661 = arith.addf %add3A_649, %mul3A_660 : vector<8x1024xf32>
    %get3A_662 = arith.constant 440 : index
    %get3A_663 = arith.constant 0 : index
    %get3A_664 = vector.load %arg1[%get3A_662, %get3A_663] : memref<512x1024xf32, #tpu.memory_space<vmem>>, vector<8x1024xf32>
    %get3A_665 = arith.constant 440 : index
    %get3A_666 = arith.constant 0 : index
    %get3A_667 = vector.load %arg2[%get3A_665, %get3A_666] : memref<512x1024xf32, #tpu.memory_space<vmem>>, vector<8x1024xf32>
    %mul3A_668 = arith.mulf %get3A_664, %get3A_667 : vector<8x1024xf32>
    %add3A_669 = arith.addf %add3A_657, %mul3A_668 : vector<8x1024xf32>
    %mul3A_670 = arith.mulf %get3A_664, %get3A_664 : vector<8x1024xf32>
    %add3A_671 = arith.addf %add3A_659, %mul3A_670 : vector<8x1024xf32>
    %mul3A_672 = arith.mulf %get3A_667, %get3A_667 : vector<8x1024xf32>
    %add3A_673 = arith.addf %add3A_661, %mul3A_672 : vector<8x1024xf32>
    %get3A_674 = arith.constant 448 : index
    %get3A_675 = arith.constant 0 : index
    %get3A_676 = vector.load %arg1[%get3A_674, %get3A_675] : memref<512x1024xf32, #tpu.memory_space<vmem>>, vector<8x1024xf32>
    %get3A_677 = arith.constant 448 : index
    %get3A_678 = arith.constant 0 : index
    %get3A_679 = vector.load %arg2[%get3A_677, %get3A_678] : memref<512x1024xf32, #tpu.memory_space<vmem>>, vector<8x1024xf32>
    %mul3A_680 = arith.mulf %get3A_676, %get3A_679 : vector<8x1024xf32>
    %add3A_681 = arith.addf %add3A_669, %mul3A_680 : vector<8x1024xf32>
    %mul3A_682 = arith.mulf %get3A_676, %get3A_676 : vector<8x1024xf32>
    %add3A_683 = arith.addf %add3A_671, %mul3A_682 : vector<8x1024xf32>
    %mul3A_684 = arith.mulf %get3A_679, %get3A_679 : vector<8x1024xf32>
    %add3A_685 = arith.addf %add3A_673, %mul3A_684 : vector<8x1024xf32>
    %get3A_686 = arith.constant 456 : index
    %get3A_687 = arith.constant 0 : index
    %get3A_688 = vector.load %arg1[%get3A_686, %get3A_687] : memref<512x1024xf32, #tpu.memory_space<vmem>>, vector<8x1024xf32>
    %get3A_689 = arith.constant 456 : index
    %get3A_690 = arith.constant 0 : index
    %get3A_691 = vector.load %arg2[%get3A_689, %get3A_690] : memref<512x1024xf32, #tpu.memory_space<vmem>>, vector<8x1024xf32>
    %mul3A_692 = arith.mulf %get3A_688, %get3A_691 : vector<8x1024xf32>
    %add3A_693 = arith.addf %add3A_681, %mul3A_692 : vector<8x1024xf32>
    %mul3A_694 = arith.mulf %get3A_688, %get3A_688 : vector<8x1024xf32>
    %add3A_695 = arith.addf %add3A_683, %mul3A_694 : vector<8x1024xf32>
    %mul3A_696 = arith.mulf %get3A_691, %get3A_691 : vector<8x1024xf32>
    %add3A_697 = arith.addf %add3A_685, %mul3A_696 : vector<8x1024xf32>
    %get3A_698 = arith.constant 464 : index
    %get3A_699 = arith.constant 0 : index
    %get3A_700 = vector.load %arg1[%get3A_698, %get3A_699] : memref<512x1024xf32, #tpu.memory_space<vmem>>, vector<8x1024xf32>
    %get3A_701 = arith.constant 464 : index
    %get3A_702 = arith.constant 0 : index
    %get3A_703 = vector.load %arg2[%get3A_701, %get3A_702] : memref<512x1024xf32, #tpu.memory_space<vmem>>, vector<8x1024xf32>
    %mul3A_704 = arith.mulf %get3A_700, %get3A_703 : vector<8x1024xf32>
    %add3A_705 = arith.addf %add3A_693, %mul3A_704 : vector<8x1024xf32>
    %mul3A_706 = arith.mulf %get3A_700, %get3A_700 : vector<8x1024xf32>
    %add3A_707 = arith.addf %add3A_695, %mul3A_706 : vector<8x1024xf32>
    %mul3A_708 = arith.mulf %get3A_703, %get3A_703 : vector<8x1024xf32>
    %add3A_709 = arith.addf %add3A_697, %mul3A_708 : vector<8x1024xf32>
    %get3A_710 = arith.constant 472 : index
    %get3A_711 = arith.constant 0 : index
    %get3A_712 = vector.load %arg1[%get3A_710, %get3A_711] : memref<512x1024xf32, #tpu.memory_space<vmem>>, vector<8x1024xf32>
    %get3A_713 = arith.constant 472 : index
    %get3A_714 = arith.constant 0 : index
    %get3A_715 = vector.load %arg2[%get3A_713, %get3A_714] : memref<512x1024xf32, #tpu.memory_space<vmem>>, vector<8x1024xf32>
    %mul3A_716 = arith.mulf %get3A_712, %get3A_715 : vector<8x1024xf32>
    %add3A_717 = arith.addf %add3A_705, %mul3A_716 : vector<8x1024xf32>
    %mul3A_718 = arith.mulf %get3A_712, %get3A_712 : vector<8x1024xf32>
    %add3A_719 = arith.addf %add3A_707, %mul3A_718 : vector<8x1024xf32>
    %mul3A_720 = arith.mulf %get3A_715, %get3A_715 : vector<8x1024xf32>
    %add3A_721 = arith.addf %add3A_709, %mul3A_720 : vector<8x1024xf32>
    %get3A_722 = arith.constant 480 : index
    %get3A_723 = arith.constant 0 : index
    %get3A_724 = vector.load %arg1[%get3A_722, %get3A_723] : memref<512x1024xf32, #tpu.memory_space<vmem>>, vector<8x1024xf32>
    %get3A_725 = arith.constant 480 : index
    %get3A_726 = arith.constant 0 : index
    %get3A_727 = vector.load %arg2[%get3A_725, %get3A_726] : memref<512x1024xf32, #tpu.memory_space<vmem>>, vector<8x1024xf32>
    %mul3A_728 = arith.mulf %get3A_724, %get3A_727 : vector<8x1024xf32>
    %add3A_729 = arith.addf %add3A_717, %mul3A_728 : vector<8x1024xf32>
    %mul3A_730 = arith.mulf %get3A_724, %get3A_724 : vector<8x1024xf32>
    %add3A_731 = arith.addf %add3A_719, %mul3A_730 : vector<8x1024xf32>
    %mul3A_732 = arith.mulf %get3A_727, %get3A_727 : vector<8x1024xf32>
    %add3A_733 = arith.addf %add3A_721, %mul3A_732 : vector<8x1024xf32>
    %get3A_734 = arith.constant 488 : index
    %get3A_735 = arith.constant 0 : index
    %get3A_736 = vector.load %arg1[%get3A_734, %get3A_735] : memref<512x1024xf32, #tpu.memory_space<vmem>>, vector<8x1024xf32>
    %get3A_737 = arith.constant 488 : index
    %get3A_738 = arith.constant 0 : index
    %get3A_739 = vector.load %arg2[%get3A_737, %get3A_738] : memref<512x1024xf32, #tpu.memory_space<vmem>>, vector<8x1024xf32>
    %mul3A_740 = arith.mulf %get3A_736, %get3A_739 : vector<8x1024xf32>
    %add3A_741 = arith.addf %add3A_729, %mul3A_740 : vector<8x1024xf32>
    %mul3A_742 = arith.mulf %get3A_736, %get3A_736 : vector<8x1024xf32>
    %add3A_743 = arith.addf %add3A_731, %mul3A_742 : vector<8x1024xf32>
    %mul3A_744 = arith.mulf %get3A_739, %get3A_739 : vector<8x1024xf32>
    %add3A_745 = arith.addf %add3A_733, %mul3A_744 : vector<8x1024xf32>
    %get3A_746 = arith.constant 496 : index
    %get3A_747 = arith.constant 0 : index
    %get3A_748 = vector.load %arg1[%get3A_746, %get3A_747] : memref<512x1024xf32, #tpu.memory_space<vmem>>, vector<8x1024xf32>
    %get3A_749 = arith.constant 496 : index
    %get3A_750 = arith.constant 0 : index
    %get3A_751 = vector.load %arg2[%get3A_749, %get3A_750] : memref<512x1024xf32, #tpu.memory_space<vmem>>, vector<8x1024xf32>
    %mul3A_752 = arith.mulf %get3A_748, %get3A_751 : vector<8x1024xf32>
    %add3A_753 = arith.addf %add3A_741, %mul3A_752 : vector<8x1024xf32>
    %mul3A_754 = arith.mulf %get3A_748, %get3A_748 : vector<8x1024xf32>
    %add3A_755 = arith.addf %add3A_743, %mul3A_754 : vector<8x1024xf32>
    %mul3A_756 = arith.mulf %get3A_751, %get3A_751 : vector<8x1024xf32>
    %add3A_757 = arith.addf %add3A_745, %mul3A_756 : vector<8x1024xf32>
    %get3A_758 = arith.constant 504 : index
    %get3A_759 = arith.constant 0 : index
    %get3A_760 = vector.load %arg1[%get3A_758, %get3A_759] : memref<512x1024xf32, #tpu.memory_space<vmem>>, vector<8x1024xf32>
    %get3A_761 = arith.constant 504 : index
    %get3A_762 = arith.constant 0 : index
    %get3A_763 = vector.load %arg2[%get3A_761, %get3A_762] : memref<512x1024xf32, #tpu.memory_space<vmem>>, vector<8x1024xf32>
    %mul3A_764 = arith.mulf %get3A_760, %get3A_763 : vector<8x1024xf32>
    %add3A_765 = arith.addf %add3A_753, %mul3A_764 : vector<8x1024xf32>
    %mul3A_766 = arith.mulf %get3A_760, %get3A_760 : vector<8x1024xf32>
    %add3A_767 = arith.addf %add3A_755, %mul3A_766 : vector<8x1024xf32>
    %mul3A_768 = arith.mulf %get3A_763, %get3A_763 : vector<8x1024xf32>
    %add3A_769 = arith.addf %add3A_757, %mul3A_768 : vector<8x1024xf32>
    %eq3A = arith.constant 0 : i32
    %eq3A_770 = arith.cmpi eq, %arg0, %eq3A : i32
    %convert_element_type3A = arith.extui %eq3A_770 : i1 to i32
    %cond3A = arith.constant 0 : i32
    %cond3A_771 = arith.cmpi ne, %convert_element_type3A, %cond3A : i32
    scf.if %cond3A_771 {
      %swap3A = arith.constant 0 : index
      %swap3A_781 = arith.constant 0 : index
      %swap3A_782 = arith.constant 0 : index
      %swap3A_783 = vector.load %arg4[%swap3A, %swap3A_781, %swap3A_782] : memref<3x8x1024xf32, #tpu.memory_space<vmem>>, vector<1x8x1024xf32>
      %swap3A_784 = vector.shape_cast %swap3A_783 : vector<1x8x1024xf32> to vector<8x1024xf32>
      %swap3A_785 = vector.shape_cast %add3A_765 : vector<8x1024xf32> to vector<1x8x1024xf32>
      tpu.vector_store %arg4[%swap3A, %swap3A_781, %swap3A_782], %swap3A_785 {strides = array<i32>} : memref<3x8x1024xf32, #tpu.memory_space<vmem>>, vector<1x8x1024xf32>,
      %swap3A_786 = arith.constant 1 : index
      %swap3A_787 = arith.constant 0 : index
      %swap3A_788 = arith.constant 0 : index
      %swap3A_789 = vector.load %arg4[%swap3A_786, %swap3A_787, %swap3A_788] : memref<3x8x1024xf32, #tpu.memory_space<vmem>>, vector<1x8x1024xf32>
      %swap3A_790 = vector.shape_cast %swap3A_789 : vector<1x8x1024xf32> to vector<8x1024xf32>
      %swap3A_791 = vector.shape_cast %add3A_767 : vector<8x1024xf32> to vector<1x8x1024xf32>
      tpu.vector_store %arg4[%swap3A_786, %swap3A_787, %swap3A_788], %swap3A_791 {strides = array<i32>} : memref<3x8x1024xf32, #tpu.memory_space<vmem>>, vector<1x8x1024xf32>,
      %swap3A_792 = arith.constant 2 : index
      %swap3A_793 = arith.constant 0 : index
      %swap3A_794 = arith.constant 0 : index
      %swap3A_795 = vector.load %arg4[%swap3A_792, %swap3A_793, %swap3A_794] : memref<3x8x1024xf32, #tpu.memory_space<vmem>>, vector<1x8x1024xf32>
      %swap3A_796 = vector.shape_cast %swap3A_795 : vector<1x8x1024xf32> to vector<8x1024xf32>
      %swap3A_797 = vector.shape_cast %add3A_769 : vector<8x1024xf32> to vector<1x8x1024xf32>
      tpu.vector_store %arg4[%swap3A_792, %swap3A_793, %swap3A_794], %swap3A_797 {strides = array<i32>} : memref<3x8x1024xf32, #tpu.memory_space<vmem>>, vector<1x8x1024xf32>,
    } else {
    }
    %gt3A = arith.constant 0 : i32
    %gt3A_772 = arith.cmpi sgt, %arg0, %gt3A : i32
    %convert_element_type3A_773 = arith.extui %gt3A_772 : i1 to i32
    %cond3A_774 = arith.constant 0 : i32
    %cond3A_775 = arith.cmpi ne, %convert_element_type3A_773, %cond3A_774 : i32
    scf.if %cond3A_775 {
      %get3A_781 = arith.constant 0 : index
      %get3A_782 = arith.constant 0 : index
      %get3A_783 = arith.constant 0 : index
      %get3A_784 = vector.load %arg4[%get3A_781, %get3A_782, %get3A_783] : memref<3x8x1024xf32, #tpu.memory_space<vmem>>, vector<1x8x1024xf32>
      %get3A_785 = vector.shape_cast %get3A_784 : vector<1x8x1024xf32> to vector<8x1024xf32>
      %add3A_786 = arith.addf %get3A_785, %add3A_765 : vector<8x1024xf32>
      %swap3A = arith.constant 0 : index
      %swap3A_787 = arith.constant 0 : index
      %swap3A_788 = arith.constant 0 : index
      %swap3A_789 = vector.load %arg4[%swap3A, %swap3A_787, %swap3A_788] : memref<3x8x1024xf32, #tpu.memory_space<vmem>>, vector<1x8x1024xf32>
      %swap3A_790 = vector.shape_cast %swap3A_789 : vector<1x8x1024xf32> to vector<8x1024xf32>
      %swap3A_791 = vector.shape_cast %add3A_786 : vector<8x1024xf32> to vector<1x8x1024xf32>
      tpu.vector_store %arg4[%swap3A, %swap3A_787, %swap3A_788], %swap3A_791 {strides = array<i32>} : memref<3x8x1024xf32, #tpu.memory_space<vmem>>, vector<1x8x1024xf32>,
      %get3A_792 = arith.constant 1 : index
      %get3A_793 = arith.constant 0 : index
      %get3A_794 = arith.constant 0 : index
      %get3A_795 = vector.load %arg4[%get3A_792, %get3A_793, %get3A_794] : memref<3x8x1024xf32, #tpu.memory_space<vmem>>, vector<1x8x1024xf32>
      %get3A_796 = vector.shape_cast %get3A_795 : vector<1x8x1024xf32> to vector<8x1024xf32>
      %add3A_797 = arith.addf %get3A_796, %add3A_767 : vector<8x1024xf32>
      %swap3A_798 = arith.constant 1 : index
      %swap3A_799 = arith.constant 0 : index
      %swap3A_800 = arith.constant 0 : index
      %swap3A_801 = vector.load %arg4[%swap3A_798, %swap3A_799, %swap3A_800] : memref<3x8x1024xf32, #tpu.memory_space<vmem>>, vector<1x8x1024xf32>
      %swap3A_802 = vector.shape_cast %swap3A_801 : vector<1x8x1024xf32> to vector<8x1024xf32>
      %swap3A_803 = vector.shape_cast %add3A_797 : vector<8x1024xf32> to vector<1x8x1024xf32>
      tpu.vector_store %arg4[%swap3A_798, %swap3A_799, %swap3A_800], %swap3A_803 {strides = array<i32>} : memref<3x8x1024xf32, #tpu.memory_space<vmem>>, vector<1x8x1024xf32>,
      %get3A_804 = arith.constant 2 : index
      %get3A_805 = arith.constant 0 : index
      %get3A_806 = arith.constant 0 : index
      %get3A_807 = vector.load %arg4[%get3A_804, %get3A_805, %get3A_806] : memref<3x8x1024xf32, #tpu.memory_space<vmem>>, vector<1x8x1024xf32>
      %get3A_808 = vector.shape_cast %get3A_807 : vector<1x8x1024xf32> to vector<8x1024xf32>
      %add3A_809 = arith.addf %get3A_808, %add3A_769 : vector<8x1024xf32>
      %swap3A_810 = arith.constant 2 : index
      %swap3A_811 = arith.constant 0 : index
      %swap3A_812 = arith.constant 0 : index
      %swap3A_813 = vector.load %arg4[%swap3A_810, %swap3A_811, %swap3A_812] : memref<3x8x1024xf32, #tpu.memory_space<vmem>>, vector<1x8x1024xf32>
      %swap3A_814 = vector.shape_cast %swap3A_813 : vector<1x8x1024xf32> to vector<8x1024xf32>
      %swap3A_815 = vector.shape_cast %add3A_809 : vector<8x1024xf32> to vector<1x8x1024xf32>
      tpu.vector_store %arg4[%swap3A_810, %swap3A_811, %swap3A_812], %swap3A_815 {strides = array<i32>} : memref<3x8x1024xf32, #tpu.memory_space<vmem>>, vector<1x8x1024xf32>,
    } else {
    }
    %eq3A_776 = arith.constant 18 : i32
    %eq3A_777 = arith.cmpi eq, %arg0, %eq3A_776 : i32
    %convert_element_type3A_778 = arith.extui %eq3A_777 : i1 to i32
    %cond3A_779 = arith.constant 0 : i32
    %cond3A_780 = arith.cmpi ne, %convert_element_type3A_778, %cond3A_779 : i32
    scf.if %cond3A_780 {
      %get3A_781 = arith.constant 0 : index
      %get3A_782 = arith.constant 0 : index
      %get3A_783 = arith.constant 0 : index
      %get3A_784 = vector.load %arg4[%get3A_781, %get3A_782, %get3A_783] : memref<3x8x1024xf32, #tpu.memory_space<vmem>>, vector<1x8x1024xf32>
      %get3A_785 = vector.shape_cast %get3A_784 : vector<1x8x1024xf32> to vector<8x1024xf32>
      %reduce_sum3A = vector.shape_cast %get3A_785 : vector<8x1024xf32> to vector<1x8x1024xf32>
      %reduce_sum3A_786 = arith.constant dense<0.000000e+00> : vector<1xf32>
      %reduce_sum3A_787 = vector.multi_reduction <add>, %reduce_sum3A, %reduce_sum3A_786 [1, 2] : vector<1x8x1024xf32> to vector<1xf32>
      %reduce_sum3A_788 = vector.shape_cast %reduce_sum3A_787 : vector<1xf32> to vector<1x1x1xf32>
      %reduce_sum3A_789 = vector.extract %reduce_sum3A_788[0, 0, 0] : f32 from vector<1x1x1xf32>
      %swap3A = arith.constant 0 : index
      %swap3A_790 = memref.load %arg3[%swap3A] : memref<3xf32, #tpu.memory_space<smem>>
      memref.store %reduce_sum3A_789, %arg3[%swap3A] : memref<3xf32, #tpu.memory_space<smem>>
      %get3A_791 = arith.constant 1 : index
      %get3A_792 = arith.constant 0 : index
      %get3A_793 = arith.constant 0 : index
      %get3A_794 = vector.load %arg4[%get3A_791, %get3A_792, %get3A_793] : memref<3x8x1024xf32, #tpu.memory_space<vmem>>, vector<1x8x1024xf32>
      %get3A_795 = vector.shape_cast %get3A_794 : vector<1x8x1024xf32> to vector<8x1024xf32>
      %reduce_sum3A_796 = vector.shape_cast %get3A_795 : vector<8x1024xf32> to vector<1x8x1024xf32>
      %reduce_sum3A_797 = arith.constant dense<0.000000e+00> : vector<1xf32>
      %reduce_sum3A_798 = vector.multi_reduction <add>, %reduce_sum3A_796, %reduce_sum3A_797 [1, 2] : vector<1x8x1024xf32> to vector<1xf32>
      %reduce_sum3A_799 = vector.shape_cast %reduce_sum3A_798 : vector<1xf32> to vector<1x1x1xf32>
      %reduce_sum3A_800 = vector.extract %reduce_sum3A_799[0, 0, 0] : f32 from vector<1x1x1xf32>
      %swap3A_801 = arith.constant 1 : index
      %swap3A_802 = memref.load %arg3[%swap3A_801] : memref<3xf32, #tpu.memory_space<smem>>
      memref.store %reduce_sum3A_800, %arg3[%swap3A_801] : memref<3xf32, #tpu.memory_space<smem>>
      %get3A_803 = arith.constant 2 : index
      %get3A_804 = arith.constant 0 : index
      %get3A_805 = arith.constant 0 : index
      %get3A_806 = vector.load %arg4[%get3A_803, %get3A_804, %get3A_805] : memref<3x8x1024xf32, #tpu.memory_space<vmem>>, vector<1x8x1024xf32>
      %get3A_807 = vector.shape_cast %get3A_806 : vector<1x8x1024xf32> to vector<8x1024xf32>
      %reduce_sum3A_808 = vector.shape_cast %get3A_807 : vector<8x1024xf32> to vector<1x8x1024xf32>
      %reduce_sum3A_809 = arith.constant dense<0.000000e+00> : vector<1xf32>
      %reduce_sum3A_810 = vector.multi_reduction <add>, %reduce_sum3A_808, %reduce_sum3A_809 [1, 2] : vector<1x8x1024xf32> to vector<1xf32>
      %reduce_sum3A_811 = vector.shape_cast %reduce_sum3A_810 : vector<1xf32> to vector<1x1x1xf32>
      %reduce_sum3A_812 = vector.extract %reduce_sum3A_811[0, 0, 0] : f32 from vector<1x1x1xf32>
      %swap3A_813 = arith.constant 2 : index
      %swap3A_814 = memref.load %arg3[%swap3A_813] : memref<3xf32, #tpu.memory_space<smem>>
      memref.store %reduce_sum3A_812, %arg3[%swap3A_813] : memref<3xf32, #tpu.memory_space<smem>>
    } else {
    }
    return
  }
  func.func @transform_0(%arg0: i32) -> (i32, i32) {
    %add3A = arith.constant 13 : i32
    %add3A_0 = arith.addi %add3A, %arg0 : i32
    %c0_i32 = arith.constant 0 : i32
    %c0_i32_1 = arith.constant 0 : i32
    return %add3A_0, %c0_i32 : i32, i32
  }
  func.func @transform_1(%arg0: i32) -> (i32, i32) {
    %add3A = arith.constant 13 : i32
    %add3A_0 = arith.addi %add3A, %arg0 : i32
    %c0_i32 = arith.constant 0 : i32
    %c0_i32_1 = arith.constant 0 : i32
    return %add3A_0, %c0_i32 : i32, i32
  }
  func.func @transform_2(%arg0: i32) -> i32 {
    %c0_i32 = arith.constant 0 : i32
    %c0_i32_0 = arith.constant 0 : i32
    return %c0_i32 : i32
  }
}

module attributes {stable_mosaic.version = 14 : i64} {
  func.func @body(%arg0: memref<32x48xf32, #tpu.memory_space<vmem>>, %arg1: memref<3xf32, #tpu.memory_space<smem>>, %arg2: memref<1xf32, #tpu.memory_space<smem>>) attributes {dimension_semantics = [], scalar_prefetch = 0 : i64, scratch_operands = 0 : i64, tpu.core_type = #tpu.core_type<tc>} {
    %get3A = arith.constant 0 : index
    %get3A_0 = arith.constant 0 : index
    %get3A_1 = vector.load %arg0[%get3A, %get3A_0] : memref<32x48xf32, #tpu.memory_space<vmem>>, vector<32x48xf32>
    %slice3A = vector.extract_strided_slice %get3A_1 {offsets = [0, 0], sizes = [32, 16], strides = [1, 1]} : vector<32x48xf32> to vector<32x16xf32>
    %reduce_sum3A = vector.shape_cast %slice3A : vector<32x16xf32> to vector<1x32x16xf32>
    %reduce_sum3A_2 = arith.constant dense<0.000000e+00> : vector<1xf32>
    %reduce_sum3A_3 = vector.multi_reduction <add>, %reduce_sum3A, %reduce_sum3A_2 [1, 2] : vector<1x32x16xf32> to vector<1xf32>
    %reduce_sum3A_4 = vector.shape_cast %reduce_sum3A_3 : vector<1xf32> to vector<1x1x1xf32>
    %reduce_sum3A_5 = vector.extract %reduce_sum3A_4[0, 0, 0] : f32 from vector<1x1x1xf32>
    %get3A_6 = arith.constant 0 : index
    %get3A_7 = memref.load %arg1[%get3A_6] : memref<3xf32, #tpu.memory_space<smem>>
    %add3A = arith.addf %reduce_sum3A_5, %get3A_7 : f32
    %slice3A_8 = vector.extract_strided_slice %get3A_1 {offsets = [0, 16], sizes = [32, 16], strides = [1, 1]} : vector<32x48xf32> to vector<32x16xf32>
    %reduce_sum3A_9 = vector.shape_cast %slice3A_8 : vector<32x16xf32> to vector<1x32x16xf32>
    %reduce_sum3A_10 = arith.constant dense<0.000000e+00> : vector<1xf32>
    %reduce_sum3A_11 = vector.multi_reduction <add>, %reduce_sum3A_9, %reduce_sum3A_10 [1, 2] : vector<1x32x16xf32> to vector<1xf32>
    %reduce_sum3A_12 = vector.shape_cast %reduce_sum3A_11 : vector<1xf32> to vector<1x1x1xf32>
    %reduce_sum3A_13 = vector.extract %reduce_sum3A_12[0, 0, 0] : f32 from vector<1x1x1xf32>
    %get3A_14 = arith.constant 1 : index
    %get3A_15 = memref.load %arg1[%get3A_14] : memref<3xf32, #tpu.memory_space<smem>>
    %add3A_16 = arith.addf %reduce_sum3A_13, %get3A_15 : f32
    %slice3A_17 = vector.extract_strided_slice %get3A_1 {offsets = [0, 32], sizes = [32, 16], strides = [1, 1]} : vector<32x48xf32> to vector<32x16xf32>
    %reduce_sum3A_18 = vector.shape_cast %slice3A_17 : vector<32x16xf32> to vector<1x32x16xf32>
    %reduce_sum3A_19 = arith.constant dense<0.000000e+00> : vector<1xf32>
    %reduce_sum3A_20 = vector.multi_reduction <add>, %reduce_sum3A_18, %reduce_sum3A_19 [1, 2] : vector<1x32x16xf32> to vector<1xf32>
    %reduce_sum3A_21 = vector.shape_cast %reduce_sum3A_20 : vector<1xf32> to vector<1x1x1xf32>
    %reduce_sum3A_22 = vector.extract %reduce_sum3A_21[0, 0, 0] : f32 from vector<1x1x1xf32>
    %get3A_23 = arith.constant 2 : index
    %get3A_24 = memref.load %arg1[%get3A_23] : memref<3xf32, #tpu.memory_space<smem>>
    %add3A_25 = arith.addf %reduce_sum3A_22, %get3A_24 : f32
    %mul3A = arith.constant 2.000000e+00 : f32
    %mul3A_26 = arith.mulf %mul3A, %add3A : f32
    %add3A_27 = arith.constant 1.000000e+00 : f32
    %add3A_28 = arith.addf %mul3A_26, %add3A_27 : f32
    %add3A_29 = arith.addf %add3A_16, %add3A_25 : f32
    %add3A_30 = arith.constant 1.000000e+00 : f32
    %add3A_31 = arith.addf %add3A_29, %add3A_30 : f32
    %div3A = arith.divf %add3A_28, %add3A_31 : f32
    %sub3A = arith.constant 1.000000e+00 : f32
    %sub3A_32 = arith.subf %sub3A, %div3A : f32
    %swap3A = arith.constant 0 : index
    %swap3A_33 = memref.load %arg2[%swap3A] : memref<1xf32, #tpu.memory_space<smem>>
    memref.store %sub3A_32, %arg2[%swap3A] : memref<1xf32, #tpu.memory_space<smem>>
    return
  }
}

</mosaic_0001>

<sc_bundles>
// kernel: kernel.5.cloned.1.call-start
scs
__scs_entry_jumppad:
0x0: {  	(pc) =	sbr.rel $0x88, $3  }
0x1: {  	(tag) =	ssettag $0x0;
	lr =	simm.s32 $0x1  }
0x2: {  	[smem:$0x3F9F] =	sst lr;
	_ =	strace $0xD0000000  }
0x3: {  	_ = 	snop  }
0x4: {  	_ = 	snop  }
0x5: {  	_ = 	snop  }
0x6: {  	_ = 	snop  }
0x7: {  	_ = 	snop  }
__scs_overlays_trampoline_lowered:
0x8: {  	[smem:$0x3FAE] =	sst s0  }
0x9: {  	[smem:$0x3FAF] =	sst s1  }
0xa: {  	[smem:$0x3FB0] =	sst s2  }
0xb: {  	[smem:$0x3FB1] =	sst s3  }
0xc: {  	[smem:$0x3FB2] =	sst s4  }
0xd: {  	[smem:$0x3FB3] =	sst s5  }
0xe: {  	[smem:$0x3FB4] =	sst s6  }
0xf: {  	[smem:$0x3FB5] =	sst s7  }
0x10: {  	[smem:$0x3FB6] =	sst s8  }
0x11: {  	[smem:$0x3FB7] =	sst s9;
	s0 =	simm.s32 @!p0 $0x0  }
0x12: {  	s1 =	sld [smem:$0x3F9D];
	s0 =	simm.s32 @p0 $0x1  }
0x13: {  	[smem:$0x3FB8] =	sst s0;
	s0 =	simm.s32 @!p1 $0x0  }
0x14: {  	s2 =	sld [smem:$0x3F9C];
	s0 =	simm.s32 @p1 $0x1  }
0x15: {  	[smem:$0x3FB9] =	sst s0;
	s0 =	simm.s32 @!p2 $0x0  }
0x16: {  	s3 =	sld [smem:$0x3FDB];
	s0 =	simm.s32 @p2 $0x1  }
0x17: {  	s4 =	simm.s32 $0x1BF5;
	[smem:$0x3FBB] =	sst s0  }
0x18: {  	s0 =	sld [smem:$0x3F9E];
	_ =	swait.ge [sflag:s4], $0x0  }
0x19: {  	s7 =	sld [smem:$0x3F9F]  }
0x1a: {  	s8 =	sadd.s32 $0xFFFFE003, lr  }
0x1b: {  	s9 =	sadd.s32 $0xFFFFFEF7, lr;
	s5 =	simm.s32 $0xFFFFFFFF;
	p2 =	slt.u32 s8, $0xFFFFF086  }
0x1c: {  	p1 =	slt.u32 s9, $0xF7A;
	s5 =	simm.s32 @!p2 $0x0  }
0x1d: {  	s5 =	simm.s32 @p1 $0x1;
	p0 =	seq.s32 s7, s2  }
0x1e: {  	s7 =	smul.u32 @!p0 $0xF7A, s2;
	p2 =	seq.s32 @!p0 s5, $0x0  }
0x1f: {  	s9 =	smul.u32 $0xF7A, s1;
	s8 =	simm.s32 @!p0 $0x1BF5;
	p2 =	por !p2, p0  }
0x20: {  	[sflag:s8] =	ssyncset.s32 @!p0 $0xFFFFF086;
	s6 =	sadd.s32 @!p0 s3, s7;
	s7 =	simm.s32 @!p0 $0x108  }
0x21: {  	s3 =	sadd.s32 s3, s9;
	s6 =	sadd.s32 @!p0 $0x88, s6;
	s7 =	simm.s32 @p2 $0x1082  }
0x22: {  	[simem:s7], [sflag:s8] =	dma.local @!p0 [hbm:s6], $0xF7A  }
0x23: {  	s9 =	sor.u32 $0xD0000000, s2;
	s6 =	simm.s32 $0x108;
	_ =	swait.ge @!p0 [sflag:s8], $0x0  }
0x24: {  	s3 =	sadd.s32 $0x88, s3;
	s6 =	simm.s32 @!p1 $0x1082;
	[sflag:s4] =	ssyncset.s32 $0xFFFFF086  }
0x25: {  	[simem:s6], [sflag:s4] =	dma.local [hbm:s3], $0xF7A  }
0x26: {  	[smem:$0x3F9F] =	sst s1;
	(tag) =	ssettag s2;
	_ =	strace s9  }
0x27: {  	s1 =	sld [smem:$0x3FAF]  }
0x28: {  	s2 =	sld [smem:$0x3FB0]  }
0x29: {  	s4 =	sld [smem:$0x3FB2]  }
0x2a: {  	p0 =	seq.s32 s5, $0x0;
	s5 =	sld [smem:$0x3FB3]  }
0x2b: {  	s6 =	sld [smem:$0x3FB4]  }
0x2c: {  	s7 =	sld [smem:$0x3FB5]  }
0x2d: {  	s3 =	simm.s32 $0x108;
	s8 =	sld [smem:$0x3FB6]  }
0x2e: {  	s3 =	simm.s32 @!p0 $0x1082;
	s9 =	sld [smem:$0x3FB7]  }
0x2f: {  	lr =	sadd.s32 s0, s3;
	s0 =	sld [smem:$0x3FAE]  }
0x30: {  	s3 =	sld [smem:$0x3FB1]  }
0x31: {  	[smem:$0x3FBA] =	sst s10  }
0x32: {  	s10 =	sld [smem:$0x3FB8];
	_ =	sdelay $0x3  }
0x33: {  	p0 =	seq.s32 s10, $0x1;
	s10 =	sld [smem:$0x3FBA];
	_ =	sdelay $0x3  }
0x34: {  	[smem:$0x3FBA] =	sst s10  }
0x35: {  	s10 =	sld [smem:$0x3FB9];
	_ =	sdelay $0x3  }
0x36: {  	p1 =	seq.s32 s10, $0x1;
	s10 =	sld [smem:$0x3FBA];
	_ =	sdelay $0x3  }
0x37: {  	[smem:$0x3FBA] =	sst s10  }
0x38: {  	s10 =	sld [smem:$0x3FBB]  }
0x39: {  	_ = 	snop;
	(pc) =	sbr.ind lr, $3  }
0x3a: {  	_ = 	snop  }
0x3b: {  	_ = 	snop  }
0x3c: {  	p2 =	seq.s32 s10, $0x1;
	s10 =	sld [smem:$0x3FBA]  }
0x3d: {  	_ =	shalt  }
0x3e: {  	_ =	shalt  }
0x3f: {  	_ =	shalt  }
0x40: {  	_ =	shalt  }
0x41: {  	_ =	shalt  }
0x42: {  	_ =	shalt  }
0x43: {  	_ =	shalt  }
0x44: {  	_ =	shalt  }
0x45: {  	_ =	shalt  }
0x46: {  	_ =	shalt  }
0x47: {  	_ =	shalt  }
0x48: {  	_ =	shalt  }
0x49: {  	_ =	shalt  }
0x4a: {  	_ =	shalt  }
0x4b: {  	_ =	shalt  }
0x4c: {  	_ =	shalt  }
0x4d: {  	_ =	shalt  }
0x4e: {  	_ =	shalt  }
0x4f: {  	_ =	shalt  }
0x50: {  	_ =	shalt  }
0x51: {  	_ =	shalt  }
0x52: {  	_ =	shalt  }
0x53: {  	_ =	shalt  }
0x54: {  	_ =	shalt  }
0x55: {  	_ =	shalt  }
0x56: {  	_ =	shalt  }
0x57: {  	_ =	shalt  }
0x58: {  	_ =	shalt  }
0x59: {  	_ =	shalt  }
0x5a: {  	_ =	shalt  }
0x5b: {  	_ =	shalt  }
0x5c: {  	_ =	shalt  }
0x5d: {  	_ =	shalt  }
0x5e: {  	_ =	shalt  }
0x5f: {  	_ =	shalt  }
0x60: {  	_ =	shalt  }
0x61: {  	_ =	shalt  }
0x62: {  	_ =	shalt  }
0x63: {  	_ =	shalt  }
0x64: {  	_ =	shalt  }
0x65: {  	_ =	shalt  }
0x66: {  	_ =	shalt  }
0x67: {  	_ =	shalt  }
0x68: {  	_ =	shalt  }
0x69: {  	_ =	shalt  }
0x6a: {  	_ =	shalt  }
0x6b: {  	_ =	shalt  }
0x6c: {  	_ =	shalt  }
0x6d: {  	_ =	shalt  }
0x6e: {  	_ =	shalt  }
0x6f: {  	_ =	shalt  }
0x70: {  	_ =	shalt  }
0x71: {  	_ =	shalt  }
0x72: {  	_ =	shalt  }
0x73: {  	_ =	shalt  }
0x74: {  	_ =	shalt  }
0x75: {  	_ =	shalt  }
0x76: {  	_ =	shalt  }
0x77: {  	_ =	shalt  }
0x78: {  	_ =	shalt  }
0x79: {  	_ =	shalt  }
0x7a: {  	_ =	shalt  }
0x7b: {  	_ =	shalt  }
0x7c: {  	_ =	shalt  }
0x7d: {  	_ =	shalt  }
0x7e: {  	_ =	shalt  }
0x7f: {  	_ =	shalt  }
0x80: {  	_ =	shalt  }
0x81: {  	_ =	shalt  }
0x82: {  	_ =	shalt  }
0x83: {  	_ =	shalt  }
0x84: {  	_ =	shalt  }
0x85: {  	_ =	shalt  }
0x86: {  	_ =	shalt  }
0x87: {  	_ =	shalt  }
.Lfunc_end0:
.L_simem_size_0:
called_computation_lowered:
.L_overlay_start_0:
0x88: {  	s2 =	sld [smem:$0x3FD9]  }
0x89: {  	s3 =	sld [smem:$0x3FFE];
	_ =	sdelay $0x1  }
0x8a: {  	s1 =	srdreg.scid  }
0x8b: {  	s0 =	sand.u32 $0x1, s1  }
0x8c: {  	s17 =	sshll.u32 s0, $0xA;
	s2 =	sadd.s32 s3, s2  }
0x8d: {  	s2 =	sadd.s32 s2, s17  }
0x8e: {  	[smem:$0x3FC6] =	sst s2  }
0x8f: {  	_ = 	snop  }
0x90: {  	s2 =	sld [smem:$0x3FC9]  }
0x91: {  	s18 =	sld [smem:$0x3FC8];
	(tm) =	ssettm $0x1  }
0x92: {  	s4 =	sld [smem:$0x3FFB];
	_ =	sdelay $0x3  }
0x93: {  	_ =	strace s4  }
0x94: {  	s4 =	sld [smem:$0x3FFC];
	_ =	sdelay $0x3  }
0x95: {  	_ =	strace s4  }
0x96: {  	s4 =	sld [smem:$0x3FFD];
	_ =	sdelay $0x3  }
0x97: {  	_ =	strace s4  }
0x98: {  	_ =	strace $0x8FFFFFFF  }
0x99: {  	s19 =	sld [smem:$0x3FDB];
	_ =	sdelay $0x1  }
0x9a: {  	s5 =	simm.s32 $_scs_section_size  }
0x9b: {  	s6 =	simm.s32 $_size__tile_overlayer_lowered;
	s7 =	simm.s32 $_tile_overlayer_lowered  }
0x9c: {  	s22 =	simm.s32 $0x1BFF;
	s21 =	sshll.u32 s7, $0x1;
	s4 =	sadd.s32 s5, s19  }
0x9d: {  	s8 =	simm.s32 $0x0;
	s20 =	sshll.u32 s6, $0x1;
	s6 =	sadd.s32 s21, s4  }
0x9e: {  	[timem:s8], [sflag:s22] =	dma.local [hbm:s6], s20  }
0x9f: {  	_ =	swait.ge [sflag:s22], s20  }
0xa0: {  	s5 =	ssub.s32 $0x0, s20;
	[sflag:s22] =	ssyncset.done $0x0  }
0xa1: {  	[sflag:s22] =	ssyncadd.s32 s5;
	_ =	sdelay $0x1  }
0xa2: {  	s23 =	simm.s32 $0x1B8B  }
0xa3: {  	_ =	swait.ge [sflag:s23], $0x1  }
0xa4: {  	[sflag:s23] =	ssyncset.done $0x0  }
0xa5: {  	s25 =	simm.s32 $0x1B8E;
	s24 =	sld [smem:$0x3FFE];
	[sflag:s23] =	ssyncadd.s32 $0xFFFFFFFF  }
0xa6: {  	s26 =	simm.s32 $execute0_lowered;
	[smem:$0x3FD2] =	sst s25  }
0xa7: {  	s6 =	sshll.u32 s26, $0x1;
	_ =	strace $0x80000046;
	[dreg:$0x1] =	wrdreg $0xFFFFFFFF  }
0xa8: {  	s28 =	simm.s32 $_size_execute0_lowered;
	s4 =	sadd.s32 s4, s6;
	[dreg:$0x0] =	wrdreg $0x0  }
0xa9: {  	s6 =	sshll.u32 s28, $0x1;
	[dreg:$0x2] =	wrdreg s4  }
0xaa: {  	[dreg:$0x3] =	wrdreg s6  }
0xab: {  	[dreg:$0x4] =	wrdreg $0xC0  }
0xac: {  	_ =	task [dreg:s8], $0x5FFFF  }
0xad: {  	[dreg:$0x1] =	wrdreg $0xFFFFFFFF  }
0xae: {  	[dreg:$0x0] =	wrdreg $0x60  }
0xaf: {  	[dreg:$0x2] =	wrdreg s2  }
0xb0: {  	[dreg:$0x3] =	wrdreg s18  }
0xb1: {  	[dreg:$0x4] =	wrdreg s24  }
0xb2: {  	[dreg:$0x5] =	wrdreg $0x9  }
0xb3: {  	_ =	task.clear_ibuf [dreg:s8], $0x6FFFF;
	_ =	strace $0x90000046  }
0xb4: {  	s29 =	simm.s32 $0x9;
	_ =	strace $0x80000048  }
0xb5: {  	_ =	swait.ge [sflag:s29], $0x1  }
0xb6: {  	[sflag:s29] =	ssyncadd.s32 $0xFFFFFFFF  }
0xb7: {  	_ =	strace $0x90000048  }
0xb8: {  	_ =	sfence  }
0xb9: {  	s30 =	sld [smem:$0x0];
	_ =	sdelay $0x2  }
0xba: {  	s31 =	sshll.u32 s1, $0xD;
	s1 =	sshrl.u32 s1, $0x2  }
0xbb: {  	s3 =	sand.u32 $0x4000, s31;
	s1 =	sadd.s32 s1, s30  }
0xbc: {  	s0 =	sor.u32 s3, s0;
	s1 =	sshll.u32 s1, $0x11  }
0xbd: {  	s0 =	sor.u32 s1, s0  }
0xbe: {  	s0 =	sadd.s32 $0x8F2B, s0  }
0xbf: {  	[sflag:s0] =	ssyncadd.remote.s32 $0x1  }
0xc0: {  	_ =	sfence.sel $0xFFFF  }
0xc1: {  	[dreg:$0x0] =	wrdreg $0xFFFFFFFF;
	(pc) =	sbr.abs _section_cstart, $3  }
0xc2: {  	[dreg:$0x1] =	wrdreg $0xFFFFFFFF  }
0xc3: {  	_ =	task.clear_ibuf [dreg:s8], $0x2FFFF;
	_ =	strace $0x9FFFFFFF  }
0xc4: {  	(tm) =	ssettm $0x7FFFFFFF  }
0xc5: {  	_ =	shalt  }
tec
execute0_lowered:
.L_overlay_start_1:
0x0: {  	(tag) =	ssettag $0x1  }
0x1: {  	s1 =	rddreg [dreg:$0x0]  }
0x2: {  	s2 =	rddreg [dreg:$0x1]  }
0x3: {  	s5 =	rddreg [dreg:$0x2]  }
0x4: {  	s0 =	rddreg [dreg:$0x3];
	s4 =	simm.s32 $0x0;
	s6 =	srdreg.scid  }
0x5: {  	s3 =	stileid.u32;
	s11 =	simm.s32 $0x8000;
	s12 =	simm.s32 $0x4000  }
0x6: {  	s13 =	simm.s32 $0xC000;
	s14 =	simm.s32 $0x1;
	s15 =	simm.s32 $0x2  }
0x7: {  	s16 =	simm.s32 $0x10000;
	s6 =	sand.u32 $0x1, s6;
	s7 =	sshll.u32 s3, $0x1  }
0x8: {  	s17 =	simm.s32 $0x3;
	s18 =	simm.s32 $0x0;
	s7 =	sor.u32 s6, s7  }
0x9: {  	[smem:$0x7FF] =	sst s4;
	s6 =	ssub.s32 $0x2, s6;
	s10 =	smul.u32 $0x6800, s7  }
0xa: {  	s8 =	sshll.u32 s7, $0x4;
	s31 =	sshrl.u32 s6, $0x1;
	s7 =	smul.u32 $0x34000, s7  }
0xb: {  	_ =	strace $0x80000047;
	s8 =	sadd.s32 s8, s5;
	s9 =	ssub.s32 s6, s31  }
0xc: {  	s5 =	sadd.s32 s1, s10;
	s6 =	sadd.s32 s2, s10;
	s7 =	sadd.s32 $0x8000, s7  }
0xd: {  	s8 =	sadd.s32 $0x600, s8;
	s9 =	smax.u32 s9, $0x1;
	s10 =	sadd.s32 $0x800, s10  }
.LBB2_1:
0xe: {  	v1 =	vimm.f32 $0.0e+00;
	v9 =	vimm.f32 $0.0e+00;
	v4 =	vimm.f32 $0.0e+00  }
0xf: {  	[tilespmem:s4], [sflag:$0x1] =	stream.linear.gather [hbm4b:s5+s4], $0x4000, $0x38;
	v6 =	vimm.f32 $0.0e+00;
	v0 =	vimm.f32 $0.0e+00;
	v3 =	vimm.f32 $0.0e+00;
	[tilespmem:$0x10080] =	vst v63  }
0x10: {  	v7 =	vimm.f32 $0.0e+00;
	v10 =	vimm.f32 $0.0e+00;
	v2 =	vimm.f32 $0.0e+00;
	s19 =	simm.s32 $0x0  }
0x11: {  	v5 =	vimm.f32 $0.0e+00;
	v8 =	vimm.f32 $0.0e+00;
	v11 =	vimm.f32 $0.0e+00;
	[tilespmem:s11], [sflag:$0x1] =	stream.linear.gather [hbm4b:s6+s4], $0x4000, $0x38;
	[tilespmem:$0x10080] =	vst v63  }
.LBB2_2:
0x12: {  	s20 =	sshll.u32 s19, $0xC  }
0x13: {  	s20 =	sadd.s32 s10, s20  }
0x14: {  	s22 =	simm.s32 $0x0;
	s21 =	sadd.s32 s1, s20  }
0x15: {  	[tilespmem:s12], [sflag:$0x2] =	stream.linear.gather [hbm4b:s21+s22], $0x4000, $0x38;
	[tilespmem:$0x10080] =	vst v63  }
0x16: {  	s20 =	sadd.s32 s2, s20  }
0x17: {  	[tilespmem:s13], [sflag:$0x2] =	stream.linear.gather [hbm4b:s20+s22], $0x4000, $0x38;
	[tilespmem:$0x10080] =	vst v63  }
0x18: {  	_ =	swait.ge [sflag:s14], $0x4000  }
0x19: {  	[sflag:s14] =	ssyncset.done $0x0  }
0x1a: {  	s29 =	simm.s32 $0x0;
	[sflag:s14] =	ssyncadd.s32 $0xFFFFC000  }
0x1b: {  	s30 =	sand.u32 $0x1C00, s22;
	s20 =	sand.u32 $0x2040, s29;
	_ =	swait.ge [sflag:s14], $0x4000  }
0x1c: {  	s22 =	sand.u32 $0x380, s22;
	s20 =	sor.u32 s30, s20;
	[sflag:s14] =	ssyncset.done $0x0  }
0x1d: {  	s24 =	sor.u32 s22, s20;
	[sflag:s14] =	ssyncadd.s32 $0xFFFFC000  }
0x1e: {  	v14 =	vld [tilespmem:s24+$0x8030]  }
0x1f: {  	v12 =	vld [tilespmem:s24+$0x0]  }
0x20: {  	v13 =	vld [tilespmem:s24+$0x8000]  }
0x21: {  	v15 =	vld [tilespmem:s24+$0x10]  }
0x22: {  	v17 =	vld [tilespmem:s24+$0x8010]  }
0x23: {  	s21 =	simm.s32 $0x200;
	s20 =	simm.s32 $0x40  }
0x24: {  	s23 =	simm.s32 $0x8;
	s31 =	sand.u32 $0x1C00, s21;
	s25 =	sand.u32 $0x2040, s20;
	v22 =	vld [tilespmem:s24+$0x8020]  }
0x25: {  	s26 =	sand.u32 $0x380, s23;
	s22 =	sor.u32 s31, s25;
	v21 =	vld [tilespmem:s24+$0x20];
	v16 =	vmul.f32 v14, v14;
	v19 =	vmul.f32 v12, v12  }
0x26: {  	s22 =	sor.u32 s26, s22;
	v18 =	vld [tilespmem:s24+$0x30];
	v20 =	vmul.f32 v13, v12;
	v23 =	vmul.f32 v13, v13  }
0x27: {  	v24 =	vmul.f32 v17, v15;
	v13 =	vadd.f32 v16, v9;
	v9 =	vld [tilespmem:s22+$0x8030];
	v12 =	vadd.f32 v19, v10  }
0x28: {  	v19 =	vmul.f32 v15, v15;
	v16 =	vld [tilespmem:s22+$0x0];
	v10 =	vadd.f32 v20, v11;
	v20 =	vmul.f32 v17, v17  }
0x29: {  	v17 =	vld [tilespmem:s22+$0x8000];
	v11 =	vadd.f32 v23, v6;
	v6 =	vadd.f32 v24, v8;
	v8 =	vmul.f32 v22, v22  }
0x2a: {  	v15 =	vld [tilespmem:s22+$0x10];
	v7 =	vadd.f32 v19, v7;
	v19 =	vmul.f32 v21, v21;
	v21 =	vmul.f32 v22, v21  }
.LBB2_3:
0x2b: {  	s20 =	sadd.s32 $0x40, s20;
	v22 =	vld [tilespmem:s22+$0x8010];
	s21 =	sadd.s32 $0x200, s21;
	v4 =	vadd.f32 v20, v4;
	v20 =	vmul.f32 v14, v18;
	v23 =	vmul.f32 v18, v18  }
0x2c: {  	s23 =	sadd.s32 $0x8, s23;
	v3 =	vadd.f32 v19, v3;
	s24 =	sand.u32 $0x1C00, s21;
	s25 =	sand.u32 $0x2040, s20;
	v24 =	vld [tilespmem:s22+$0x20];
	v25 =	vmul.f32 v9, v9;
	v5 =	vadd.f32 v21, v5;
	v14 =	vmovc v9  }
0x2d: {  	s26 =	sand.u32 $0x380, s23;
	p0 =	slt.u32 s20, $0x3FC0;
	v1 =	vadd.f32 v8, v1;
	s24 =	sor.u32 s24, s25;
	v19 =	vmul.f32 v16, v16;
	v26 =	vld [tilespmem:s22+$0x8020];
	v2 =	vadd.f32 v20, v2  }
.Ltmp0:
0x2e: {  	v8 =	vmul.f32 v17, v16;
	v21 =	vmul.f32 v17, v17;
	v18 =	vld [tilespmem:s22+$0x30];
	s22 =	sor.u32 s26, s24;
	v13 =	vadd.f32 v25, v13;
	(pc) =	sbr.rel @p0 .LBB2_3-.Ltmp0, $4  }
0x2f: {  	v0 =	vadd.f32 v23, v0;
	v9 =	vld [tilespmem:s22+$0x8030];
	v12 =	vadd.f32 v19, v12;
	v19 =	vmul.f32 v15, v15  }
0x30: {  	v16 =	vld [tilespmem:s22+$0x0];
	v10 =	vadd.f32 v8, v10;
	v8 =	vmul.f32 v22, v15;
	v20 =	vmul.f32 v22, v22  }
0x31: {  	v11 =	vadd.f32 v21, v11;
	v17 =	vld [tilespmem:s22+$0x8000];
	v7 =	vadd.f32 v19, v7;
	v19 =	vmul.f32 v24, v24  }
0x32: {  	v15 =	vld [tilespmem:s22+$0x10];
	v6 =	vadd.f32 v8, v6;
	v21 =	vmul.f32 v26, v24;
	v8 =	vmul.f32 v26, v26  }
0x33: {  	s20 =	sshll.u32 s19, $0xF  }
0x34: {  	v22 =	vld [tilespmem:s22+$0x8010];
	s20 =	sadd.s32 s20, s7  }
0x35: {  	v23 =	vld [tilespmem:s22+$0x20];
	s20 =	sshrl.u32 s20, $0x3  }
0x36: {  	v24 =	vld [tilespmem:s22+$0x8020];
	s28 =	simm.s32 $0x0;
	s21 =	sadd.s32 s1, s20  }
0x37: {  	v25 =	vld [tilespmem:s22+$0x30];
	[tilespmem:s28], [sflag:$0x1] =	stream.linear.gather [hbm4b:s21+s28], $0x4000, $0x38  }
0x38: {  	s20 =	sadd.s32 s2, s20  }
0x39: {  	[tilespmem:s11], [sflag:$0x1] =	stream.linear.gather [hbm4b:s20+s28], $0x4000, $0x38;
	[tilespmem:$0x10080] =	vst v63  }
0x3a: {  	_ =	swait.ge [sflag:s15], $0x4000  }
0x3b: {  	[sflag:s15] =	ssyncset.done $0x0  }
0x3c: {  	v4 =	vadd.f32 v20, v4;
	s29 =	simm.s32 $0x0;
	[sflag:s15] =	ssyncadd.s32 $0xFFFFC000  }
0x3d: {  	v14 =	vmul.f32 v14, v18;
	v18 =	vmul.f32 v18, v18;
	v3 =	vadd.f32 v19, v3;
	s30 =	sand.u32 $0x1C00, s28;
	s20 =	sand.u32 $0x2040, s29;
	_ =	swait.ge [sflag:s15], $0x4000  }
0x3e: {  	v19 =	vmul.f32 v9, v9;
	v8 =	vadd.f32 v8, v1;
	s22 =	sand.u32 $0x380, s28;
	v1 =	vmul.f32 v16, v16;
	s20 =	sor.u32 s30, s20;
	[sflag:s15] =	ssyncset.done $0x0  }
0x3f: {  	v14 =	vadd.f32 v14, v2;
	v2 =	vmul.f32 v17, v16;
	v16 =	vmul.f32 v17, v17;
	s24 =	sor.u32 s22, s20;
	[sflag:s15] =	ssyncadd.s32 $0xFFFFC000  }
0x40: {  	v17 =	vadd.f32 v18, v0;
	v12 =	vadd.f32 v1, v12;
	v1 =	vmul.f32 v15, v15;
	v0 =	vld [tilespmem:s24+$0xC030]  }
0x41: {  	v5 =	vadd.f32 v21, v5;
	v13 =	vadd.f32 v19, v13;
	v18 =	vld [tilespmem:s24+$0x4000]  }
0x42: {  	v10 =	vadd.f32 v2, v10;
	v2 =	vmul.f32 v22, v15;
	v19 =	vadd.f32 v1, v7;
	v7 =	vld [tilespmem:s24+$0xC000]  }
0x43: {  	v15 =	vmul.f32 v22, v22;
	v16 =	vadd.f32 v16, v11;
	v11 =	vmul.f32 v23, v23;
	v20 =	vld [tilespmem:s24+$0x4010]  }
0x44: {  	v1 =	vmul.f32 v24, v23;
	v21 =	vadd.f32 v2, v6;
	v6 =	vmul.f32 v24, v24;
	v22 =	vld [tilespmem:s24+$0xC010]  }
0x45: {  	s21 =	simm.s32 $0x200;
	v9 =	vmul.f32 v9, v25;
	v2 =	vadd.f32 v15, v4;
	v4 =	vadd.f32 v11, v3;
	s20 =	simm.s32 $0x40;
	v23 =	vld [tilespmem:s24+$0x4020]  }
0x46: {  	s23 =	simm.s32 $0x8;
	s31 =	sand.u32 $0x1C00, s21;
	v1 =	vadd.f32 v1, v5;
	v5 =	vmul.f32 v25, v25;
	v3 =	vadd.f32 v6, v8;
	s25 =	sand.u32 $0x2040, s20;
	v63 =	vld [tilespmem:s24+$0xC020]  }
0x47: {  	s26 =	sand.u32 $0x380, s23;
	v6 =	vadd.f32 v9, v14;
	s22 =	sor.u32 s31, s25;
	v8 =	vmul.f32 v0, v0;
	v9 =	vmul.f32 v18, v18  }
0x48: {  	v5 =	vadd.f32 v5, v17;
	s22 =	sor.u32 s26, s22;
	v17 =	vld [tilespmem:s24+$0x4030];
	v11 =	vmul.f32 v7, v18;
	v14 =	vmul.f32 v7, v7  }
0x49: {  	v15 =	vld [tilespmem:s22+$0xC030];
	v18 =	vmul.f32 v22, v20;
	v7 =	vadd.f32 v8, v13;
	v8 =	vadd.f32 v9, v12  }
0x4a: {  	v13 =	vmul.f32 v20, v20;
	v9 =	vld [tilespmem:s22+$0x4000];
	v11 =	vadd.f32 v11, v10;
	v20 =	vmul.f32 v22, v22  }
0x4b: {  	v10 =	vld [tilespmem:s22+$0xC000];
	v12 =	vadd.f32 v14, v16;
	v14 =	vadd.f32 v18, v21;
	v21 =	vmul.f32 v63, v23  }
0x4c: {  	v16 =	vld [tilespmem:s22+$0x4010];
	v18 =	vmul.f32 v63, v63;
	v13 =	vadd.f32 v13, v19;
	v19 =	vmul.f32 v23, v23  }
.LBB2_5:
0x4d: {  	s20 =	sadd.s32 $0x40, s20;
	v22 =	vld [tilespmem:s22+$0xC010];
	s21 =	sadd.s32 $0x200, s21;
	v2 =	vadd.f32 v20, v2;
	v20 =	vmul.f32 v0, v17;
	v23 =	vmul.f32 v17, v17  }
0x4e: {  	s23 =	sadd.s32 $0x8, s23;
	v4 =	vadd.f32 v19, v4;
	s24 =	sand.u32 $0x1C00, s21;
	s25 =	sand.u32 $0x2040, s20;
	v24 =	vld [tilespmem:s22+$0x4020];
	v25 =	vmul.f32 v15, v15;
	v1 =	vadd.f32 v21, v1;
	v0 =	vmovc v15  }
0x4f: {  	s26 =	sand.u32 $0x380, s23;
	p0 =	slt.u32 s20, $0x3FC0;
	v3 =	vadd.f32 v18, v3;
	s24 =	sor.u32 s24, s25;
	v19 =	vmul.f32 v9, v9;
	v26 =	vld [tilespmem:s22+$0xC020];
	v6 =	vadd.f32 v20, v6  }
.Ltmp1:
0x50: {  	v18 =	vmul.f32 v10, v9;
	v21 =	vmul.f32 v10, v10;
	v17 =	vld [tilespmem:s22+$0x4030];
	s22 =	sor.u32 s26, s24;
	v7 =	vadd.f32 v25, v7;
	(pc) =	sbr.rel @p0 .LBB2_5-.Ltmp1, $4  }
0x51: {  	v5 =	vadd.f32 v23, v5;
	v15 =	vld [tilespmem:s22+$0xC030];
	v8 =	vadd.f32 v19, v8;
	v19 =	vmul.f32 v16, v16  }
0x52: {  	v9 =	vld [tilespmem:s22+$0x4000];
	v11 =	vadd.f32 v18, v11;
	v18 =	vmul.f32 v22, v16;
	v20 =	vmul.f32 v22, v22  }
0x53: {  	v12 =	vadd.f32 v21, v12;
	v10 =	vld [tilespmem:s22+$0xC000];
	v13 =	vadd.f32 v19, v13;
	v19 =	vmul.f32 v24, v24  }
0x54: {  	v16 =	vld [tilespmem:s22+$0x4010];
	v14 =	vadd.f32 v18, v14;
	v21 =	vmul.f32 v26, v24;
	v18 =	vmul.f32 v26, v26  }
0x55: {  	v22 =	vld [tilespmem:s22+$0xC010];
	v0 =	vmul.f32 v0, v17  }
0x56: {  	v2 =	vadd.f32 v20, v2;
	v57 =	vmul.f32 v17, v17;
	v58 =	vld [tilespmem:s22+$0x4020];
	v19 =	vadd.f32 v19, v4  }
0x57: {  	v59 =	vld [tilespmem:s22+$0xC020];
	v23 =	vmul.f32 v15, v15;
	v1 =	vadd.f32 v21, v1;
	v4 =	vmul.f32 v9, v9  }
0x58: {  	v24 =	vld [tilespmem:s22+$0x4030];
	v18 =	vadd.f32 v18, v3;
	v0 =	vadd.f32 v0, v6;
	v3 =	vmul.f32 v10, v9  }
0x59: {  	v17 =	vadd.f32 v57, v5;
	v6 =	vmul.f32 v10, v10;
	v10 =	vadd.f32 v4, v8  }
0x5a: {  	s19 =	sadd.s32 $0x1, s19;
	v4 =	vmul.f32 v16, v16;
	v11 =	vadd.f32 v3, v11;
	v3 =	vmul.f32 v22, v16  }
0x5b: {  	p0 =	sne.s32 s19, $0x6;
	v9 =	vadd.f32 v23, v7;
	v5 =	vmul.f32 v22, v22;
	v60 =	vmul.f32 v58, v58  }
.Ltmp2:
0x5c: {  	v6 =	vadd.f32 v6, v12;
	v61 =	vmul.f32 v59, v58;
	v62 =	vmul.f32 v59, v59;
	(pc) =	sbr.rel @p0 .LBB2_2-.Ltmp2, $4  }
0x5d: {  	v63 =	vmul.f32 v24, v24;
	v7 =	vadd.f32 v4, v13;
	v8 =	vadd.f32 v3, v14  }
0x5e: {  	v4 =	vadd.f32 v5, v2;
	v2 =	vmul.f32 v15, v24;
	v5 =	vadd.f32 v61, v1  }
0x5f: {  	v3 =	vadd.f32 v60, v19;
	v1 =	vadd.f32 v62, v18  }
0x60: {  	v2 =	vadd.f32 v2, v0;
	v0 =	vadd.f32 v63, v17  }
0x61: {  	_ =	swait.ge [sflag:s14], $0x4000  }
0x62: {  	[sflag:s14] =	ssyncset.done $0x0  }
0x63: {  	s19 =	simm.s32 $0x0;
	s20 =	simm.s32 $0x0;
	[sflag:s14] =	ssyncadd.s32 $0xFFFFC000  }
0x64: {  	s21 =	sand.u32 $0x1C00, s19;
	s20 =	sand.u32 $0x2040, s20;
	_ =	swait.ge [sflag:s14], $0x4000  }
0x65: {  	s19 =	sand.u32 $0x380, s19;
	s20 =	sor.u32 s21, s20;
	[sflag:s14] =	ssyncset.done $0x0  }
0x66: {  	s23 =	sor.u32 s19, s20;
	[sflag:s14] =	ssyncadd.s32 $0xFFFFC000  }
0x67: {  	v13 =	vld [tilespmem:s23+$0x8030]  }
0x68: {  	v12 =	vld [tilespmem:s23+$0x0]  }
0x69: {  	v14 =	vld [tilespmem:s23+$0x8000]  }
0x6a: {  	v16 =	vld [tilespmem:s23+$0x10]  }
0x6b: {  	v18 =	vld [tilespmem:s23+$0x8010]  }
0x6c: {  	s21 =	simm.s32 $0x200;
	s20 =	simm.s32 $0x40  }
0x6d: {  	s22 =	simm.s32 $0x8;
	s31 =	sand.u32 $0x1C00, s21;
	s24 =	sand.u32 $0x2040, s20;
	v22 =	vld [tilespmem:s23+$0x8020]  }
0x6e: {  	s25 =	sand.u32 $0x380, s22;
	s19 =	sor.u32 s31, s24;
	v21 =	vld [tilespmem:s23+$0x20];
	v15 =	vmul.f32 v13, v13;
	v19 =	vmul.f32 v12, v12  }
0x6f: {  	s19 =	sor.u32 s25, s19;
	v17 =	vld [tilespmem:s23+$0x30];
	v20 =	vmul.f32 v14, v12;
	v14 =	vmul.f32 v14, v14  }
0x70: {  	v12 =	vld [tilespmem:s19+$0x8030];
	v23 =	vmul.f32 v18, v16;
	v9 =	vadd.f32 v15, v9;
	v10 =	vadd.f32 v19, v10  }
0x71: {  	v19 =	vmul.f32 v16, v16;
	v15 =	vld [tilespmem:s19+$0x0];
	v11 =	vadd.f32 v20, v11;
	v20 =	vmul.f32 v18, v18  }
0x72: {  	v16 =	vld [tilespmem:s19+$0x8000];
	v6 =	vadd.f32 v14, v6;
	v8 =	vadd.f32 v23, v8;
	v18 =	vmul.f32 v22, v22  }
0x73: {  	v14 =	vld [tilespmem:s19+$0x10];
	v7 =	vadd.f32 v19, v7;
	v19 =	vmul.f32 v21, v21;
	v21 =	vmul.f32 v22, v21  }
.LBB2_8:
0x74: {  	s20 =	sadd.s32 $0x40, s20;
	v22 =	vld [tilespmem:s19+$0x8010];
	s21 =	sadd.s32 $0x200, s21;
	v4 =	vadd.f32 v20, v4;
	v20 =	vmul.f32 v13, v17;
	v23 =	vmul.f32 v17, v17  }
0x75: {  	s22 =	sadd.s32 $0x8, s22;
	v3 =	vadd.f32 v19, v3;
	s23 =	sand.u32 $0x1C00, s21;
	s24 =	sand.u32 $0x2040, s20;
	v24 =	vld [tilespmem:s19+$0x20];
	v25 =	vmul.f32 v12, v12;
	v5 =	vadd.f32 v21, v5;
	v13 =	vmovc v12  }
0x76: {  	s25 =	sand.u32 $0x380, s22;
	p0 =	slt.u32 s20, $0x3FC0;
	v1 =	vadd.f32 v18, v1;
	s23 =	sor.u32 s23, s24;
	v19 =	vmul.f32 v15, v15;
	v26 =	vld [tilespmem:s19+$0x8020];
	v2 =	vadd.f32 v20, v2  }
.Ltmp3:
0x77: {  	v18 =	vmul.f32 v16, v15;
	v21 =	vmul.f32 v16, v16;
	v17 =	vld [tilespmem:s19+$0x30];
	s19 =	sor.u32 s25, s23;
	v9 =	vadd.f32 v25, v9;
	(pc) =	sbr.rel @p0 .LBB2_8-.Ltmp3, $4  }
0x78: {  	v0 =	vadd.f32 v23, v0;
	v12 =	vld [tilespmem:s19+$0x8030];
	v10 =	vadd.f32 v19, v10;
	v19 =	vmul.f32 v14, v14  }
0x79: {  	v15 =	vld [tilespmem:s19+$0x0];
	v11 =	vadd.f32 v18, v11;
	v18 =	vmul.f32 v22, v14;
	v20 =	vmul.f32 v22, v22  }
0x7a: {  	v6 =	vadd.f32 v21, v6;
	v16 =	vld [tilespmem:s19+$0x8000];
	v7 =	vadd.f32 v19, v7;
	v19 =	vmul.f32 v24, v24  }
0x7b: {  	v14 =	vld [tilespmem:s19+$0x10];
	v8 =	vadd.f32 v18, v8;
	v21 =	vmul.f32 v26, v24;
	v18 =	vmul.f32 v26, v26  }
0x7c: {  	v22 =	vld [tilespmem:s19+$0x8010];
	v13 =	vmul.f32 v13, v17  }
0x7d: {  	v4 =	vadd.f32 v20, v4;
	v49 =	vmul.f32 v17, v17;
	v50 =	vld [tilespmem:s19+$0x20];
	v3 =	vadd.f32 v19, v3  }
0x7e: {  	v52 =	vld [tilespmem:s19+$0x8020];
	v23 =	vmul.f32 v12, v12;
	v5 =	vadd.f32 v21, v5;
	v1 =	vadd.f32 v18, v1  }
0x7f: {  	v51 =	vmul.f32 v15, v15;
	v2 =	vadd.f32 v13, v2;
	v53 =	vmul.f32 v16, v15  }
0x80: {  	v55 =	vld [tilespmem:s19+$0x30];
	v0 =	vadd.f32 v49, v0;
	v54 =	vmul.f32 v16, v16;
	v9 =	vadd.f32 v23, v9  }
0x81: {  	v10 =	vadd.f32 v51, v10;
	v56 =	vmul.f32 v14, v14;
	v11 =	vadd.f32 v53, v11  }
0x82: {  	v57 =	vmul.f32 v22, v14;
	v58 =	vmul.f32 v22, v22;
	v6 =	vadd.f32 v54, v6  }
0x83: {  	v59 =	vmul.f32 v50, v50;
	v60 =	vmul.f32 v52, v50;
	v7 =	vadd.f32 v56, v7  }
0x84: {  	v61 =	vmul.f32 v52, v52;
	v8 =	vadd.f32 v57, v8;
	v4 =	vadd.f32 v58, v4  }
0x85: {  	v63 =	vmul.f32 v55, v55;
	v5 =	vadd.f32 v60, v5;
	v3 =	vadd.f32 v59, v3  }
0x86: {  	v1 =	vadd.f32 v61, v1;
	v7 =	vadd.f32 v7, v10  }
0x87: {  	v62 =	vmul.f32 v12, v55;
	v0 =	vadd.f32 v63, v0;
	v8 =	vadd.f32 v8, v11  }
0x88: {  	v4 =	vadd.f32 v4, v6;
	v3 =	vadd.f32 v3, v7  }
0x89: {  	v2 =	vadd.f32 v62, v2;
	v5 =	vadd.f32 v5, v8  }
0x8a: {  	v1 =	vadd.f32 v1, v4;
	v0 =	vadd.f32 v0, v3  }
0x8b: {  	v2 =	vadd.f32 v2, v5  }
0x8c: {  	s18 =	sadd.s32 $0x1, s18;
	v1 =	vadd.f32 v9, v1;
	[tilespmem:$0x10010] =	vst v0  }
0x8d: {  	p0 =	sne.s32 s18, s9;
	[tilespmem:$0x10000] =	vst v2  }
.Ltmp4:
0x8e: {  	[tilespmem:$0x10020] =	vst v1;
	(pc) =	sbr.rel @p0 .LBB2_1-.Ltmp4, $4  }
0x8f: {  	[hbm4b:s8+s4] =	stream.linear.scatter [tilespmem:s16], [sflag:$0x3], $0x80, $0x38;
	[tilespmem:$0x10080] =	vst v63  }
0x90: {  	_ =	swait.ge [sflag:s17], $0x80  }
0x91: {  	[sflag:s17] =	ssyncset.done $0x0  }
0x92: {  	[sflag:s17] =	ssyncadd.s32 $0xFFFFFF80  }
0x93: {  	_ =	sfence.sel $0x180000  }
0x94: {  	[bflag:$0x0] =	sbarrier.arrive $0xFFFF  }
0x95: {  	p0 =	sne.s32 s3, $0x0;
	_ =	strace $0x90000047  }
0x96: {  	s0 =	sadd.s32 @!p0 $0x100000, s0;
	[bflag:$0x2] =	sbarrier.arrive $0xFFFF  }
0x97: {  	[sflag:s0] =	ssyncadd.tile.s32 @!p0 $0x1;
	_ =	shalt  }
.Lfunc_end2:
_tile_overlayer_lowered:
.L_overlay_start_2:
0x98: {  	(tag) =	ssettag $0x2  }
0x99: {  	s0 =	rddreg [dreg:$0x0];
	s2 =	stileid.u32  }
0x9a: {  	s1 =	rddreg [dreg:$0x1];
	p0 =	sne.s32 s2, $0x0  }
0x9b: {  	s3 =	rddreg [dreg:$0x2];
	[bflag:$0x3] =	sbarrier.arrive $0xFFFF;
	s2 =	simm.s32 @!p0 $0x1C03  }
0x9c: {  	[timem:s3], [sflag:s2] =	dma.local @!p0 [hbm:s0], s1  }
0x9d: {  	s0 =	simm.s32 @!p0 $0x3  }
0x9e: {  	_ =	swait.ge @!p0 [sflag:s0], s1  }
0x9f: {  	s1 =	ssub.s32 @!p0 $0x0, s1;
	[sflag:s0] =	ssyncset.done @!p0 $0x0  }
0xa0: {  	[sflag:s0] =	ssyncadd.s32 @!p0 s1  }
0xa1: {  	[bflag:$0x3] =	sbarrier.arrive $0xFFFF  }
0xa2: {  	_ =	shalt  }

</sc_bundles>
